<compile_context>
chip_gen: v7x
topology: tpu7x:2x2x1
jax: 0.10.2.dev20260603
libtpu: 0.0.44.dev20260713+nightly
codegen_flags: <defaults>
</compile_context>

<pallas_src>
import jax
import jax.numpy as jnp
from jax import lax
from jax.experimental import pallas as pl
from jax.experimental.pallas import tpu as pltpu
from jax.experimental.pallas import tpu_sc as plsc

_VOCAB = 1000000
_EMBED = 16
_KCTX = 5
_BATCH = 16384
_NC = 2
_NS = 16
_NW = _NC * _NS
_BPW = _BATCH // _NW
_CHUNK = 128
_NCH_T = _BPW // _CHUNK
_NCH_C = _BPW * _KCTX // _CHUNK
_GROUPS = _BPW // 16


def _sc_body(tgt_idx_hbm, ctx_idx_hbm, ttab_hbm, ctab_hbm, out_hbm,
             tgt_idx_v, ctx_idx_v, tgt_rows, ctx_rows, out_v, sem):
    wid = lax.axis_index("s") * _NC + lax.axis_index("c")
    base = wid * _BPW

    pltpu.sync_copy(tgt_idx_hbm.at[pl.ds(base, _BPW)], tgt_idx_v)
    pltpu.sync_copy(ctx_idx_hbm.at[pl.ds(base * _KCTX, _BPW * _KCTX)],
                    ctx_idx_v)

    copies = []
    for j in range(_NCH_T):
        copies.append(pltpu.async_copy(
            ttab_hbm.at[tgt_idx_v.at[pl.ds(j * _CHUNK, _CHUNK)]],
            tgt_rows.at[pl.ds(j * _CHUNK, _CHUNK)], sem))
    for j in range(_NCH_C):
        copies.append(pltpu.async_copy(
            ctab_hbm.at[ctx_idx_v.at[pl.ds(j * _CHUNK, _CHUNK)]],
            ctx_rows.at[pl.ds(j * _CHUNK, _CHUNK)], sem))
    for c in copies:
        c.wait()

    def group(g, carry):
        row_ids = g * 16 + lax.iota(jnp.int32, 16)
        tcol = [
            plsc.load_gather(
                tgt_rows, [row_ids, jnp.full((16,), d, jnp.int32)])
            for d in range(_EMBED)
        ]
        crow_base = row_ids * _KCTX
        for n in range(_KCTX):
            crow = crow_base + n
            acc = tcol[0] * plsc.load_gather(
                ctx_rows, [crow, jnp.full((16,), 0, jnp.int32)])
            for d in range(1, _EMBED):
                acc = acc + tcol[d] * plsc.load_gather(
                    ctx_rows, [crow, jnp.full((16,), d, jnp.int32)])
            plsc.store_scatter(
                out_v, [row_ids, jnp.full((16,), n, jnp.int32)], acc)
        return carry

    lax.fori_loop(0, _GROUPS, group, 0)
    pltpu.sync_copy(out_v, out_hbm.at[pl.ds(base, _BPW), :])


@jax.jit
def _score(tgt_idx, ctx_idx, target_table, context_table):
    mesh = plsc.VectorSubcoreMesh(core_axis_name="c", subcore_axis_name="s")
    run = pl.kernel(
        _sc_body,
        mesh=mesh,
        compiler_params=pltpu.CompilerParams(
            needs_layout_passes=False, use_tc_tiling_on_sc=False),
        out_type=jax.ShapeDtypeStruct((_BATCH, _KCTX), jnp.float32),
        scratch_types=[
            pltpu.VMEM((_BPW,), jnp.int32),
            pltpu.VMEM((_BPW * _KCTX,), jnp.int32),
            pltpu.VMEM((_BPW, _EMBED), jnp.float32),
            pltpu.VMEM((_BPW * _KCTX, _EMBED), jnp.float32),
            pltpu.VMEM((_BPW, _KCTX), jnp.float32),
            pltpu.SemaphoreType.DMA,
        ],
    )
    return run(tgt_idx, ctx_idx, target_table, context_table)


def kernel(target, context, target_table, context_table):
    tgt_idx = target.reshape(_BATCH)
    ctx_idx = context.reshape(_BATCH * _KCTX)
    return _score(tgt_idx, ctx_idx, target_table, context_table)

# --- scband reference (transcript-rebuilt; emitter-appended) ---
"""Pipeline reference for scband-word2-vec-12850542149915 (READ-ONLY COPY).

The authoritative reference and input builder live on the scoring server;
editing this copy changes nothing except your own understanding.
"""

import jax, jax.numpy as jnp
import numpy as np

VOCAB = 1000000
EMBED = 16
NUM_NS = 4
BATCH = 16384


def setup_inputs(seed: int = 0) -> dict:
    key = jax.random.key(seed)
    k1, k2, k3, k4 = jax.random.split(key, 4)
    # target: [B, 1] int indices into vocab
    target = jax.random.randint(k1, (BATCH, 1), 0, VOCAB, dtype=jnp.int64 if jax.config.jax_enable_x64 else jnp.int32).astype(jnp.int32)
    # context: [B, num_ns+1, 1] int indices (1 positive + num_ns negatives), as in the TF word2vec tutorial
    context = jax.random.randint(k2, (BATCH, NUM_NS + 1, 1), 0, VOCAB, dtype=jnp.int32)
    # Learned parameters: the two embedding tables
    target_table = jax.random.normal(k3, (VOCAB, EMBED), dtype=jnp.float32) * 0.05
    context_table = jax.random.normal(k4, (VOCAB, EMBED), dtype=jnp.float32) * 0.05
    return {
        "target": target,
        "context": context,
        "target_table": target_table,
        "context_table": context_table,
    }


def reference(target, context, target_table, context_table):
    # target_embedding lookup: [B, 1] -> [B, 1, D]
    word_emb = jnp.take(target_table, target, axis=0)
    # context_embedding lookup: [B, num_ns+1, 1] -> [B, num_ns+1, 1, D]
    context_emb = jnp.take(context_table, context, axis=0)
    # Keras Dot(axes=(3, 2)): contract embed axis of context_emb (axis 3)
    # with embed axis of word_emb (axis 2), batch dim preserved.
    # Result: [B, num_ns+1, 1, 1]
    dots = jnp.einsum('bnud,btd->bnut', context_emb, word_emb)
    # Flatten: [B, num_ns+1]
    return dots.reshape(dots.shape[0], -1)

if __name__ == "__main__":
    import jax
    _d = setup_inputs()
    print(jax.jit(kernel)(*tuple(_d.values())))

</pallas_src>

<mosaic_0001>
#map = affine_map<(d0, d1) -> (0)>
#map1 = affine_map<(d0, d1) -> (0, 0)>
module attributes {stable_mosaic.version = 14 : i64} {
  func.func @_sc_body(%arg0: i32, %arg1: i32, %arg2: memref<16384xi32, #tpu.memory_space<hbm>>, %arg3: memref<81920xi32, #tpu.memory_space<hbm>>, %arg4: memref<1000000x16xf32, #tpu.memory_space<hbm>>, %arg5: memref<1000000x16xf32, #tpu.memory_space<hbm>>, %arg6: memref<16384x5xf32, #tpu.memory_space<hbm>>, %arg7: memref<512xi32, #tpu.memory_space<vmem>>, %arg8: memref<2560xi32, #tpu.memory_space<vmem>>, %arg9: memref<512x16xf32, #tpu.memory_space<vmem>>, %arg10: memref<2560x16xf32, #tpu.memory_space<vmem>>, %arg11: memref<512x5xf32, #tpu.memory_space<vmem>>, %arg12: memref<!tpu.dma_semaphore, #tpu.memory_space<semaphore_mem>>) attributes {dimension_semantics = [#tpu.dimension_semantics<core_parallel>, #tpu.dimension_semantics<subcore_parallel>], iteration_bounds = array<i64: 2, 16>, scalar_prefetch = 0 : i64, scratch_operands = 6 : i64, tpu.core_type = #tpu.core_type<sc_vector_subcore>, window_params = [{transform_indices = #map}, {transform_indices = #map}, {transform_indices = #map1}, {transform_indices = #map1}, {transform_indices = #map1}]} {
    %mul3A = arith.constant 2 : i32
    %mul3A_0 = arith.muli %arg1, %mul3A : i32
    %add3A = arith.addi %mul3A_0, %arg0 : i32
    %mul3A_1 = arith.constant 512 : i32
    %mul3A_2 = arith.muli %add3A, %mul3A_1 : i32
    "tpu.region"() ({
      %run_scoped3A = tpu.sem_alloc : memref<!tpu.dma_semaphore, #tpu.memory_space<semaphore_mem>>
      %dma_start3A_392 = tpu.memref_slice %arg2[%mul3A_2] : memref<16384xi32, #tpu.memory_space<hbm>> -> memref<512xi32, #tpu.memory_space<hbm>>
      %dma_start3A_393 = tpu.memref_slice %arg2[%mul3A_2] : memref<16384xi32, #tpu.memory_space<hbm>> -> memref<512xi32, #tpu.memory_space<hbm>>
      tpu.enqueue_dma source(%dma_start3A_393 : memref<512xi32, #tpu.memory_space<hbm>>) target(%arg7 : memref<512xi32, #tpu.memory_space<vmem>>) target_semaphore(%run_scoped3A : memref<!tpu.dma_semaphore, #tpu.memory_space<semaphore_mem>>)
      %dma_wait3A_394 = tpu.memref_slice %arg2[%mul3A_2] : memref<16384xi32, #tpu.memory_space<hbm>> -> memref<512xi32, #tpu.memory_space<hbm>>
      %dma_wait3A_395 = tpu.memref_slice %arg2[%mul3A_2] : memref<16384xi32, #tpu.memory_space<hbm>> -> memref<512xi32, #tpu.memory_space<hbm>>
      tpu.wait_dma2 semaphore(%run_scoped3A : memref<!tpu.dma_semaphore, #tpu.memory_space<semaphore_mem>>) src(%dma_wait3A_395 : memref<512xi32, #tpu.memory_space<hbm>>) dst(%arg7 : memref<512xi32, #tpu.memory_space<vmem>>)
      tpu.yield
    }) : () -> ()
    %mul3A_3 = arith.constant 5 : i32
    %mul3A_4 = arith.muli %mul3A_2, %mul3A_3 : i32
    "tpu.region"() ({
      %run_scoped3A = tpu.sem_alloc : memref<!tpu.dma_semaphore, #tpu.memory_space<semaphore_mem>>
      %dma_start3A_392 = tpu.memref_slice %arg3[%mul3A_4] : memref<81920xi32, #tpu.memory_space<hbm>> -> memref<2560xi32, #tpu.memory_space<hbm>>
      %dma_start3A_393 = tpu.memref_slice %arg3[%mul3A_4] : memref<81920xi32, #tpu.memory_space<hbm>> -> memref<2560xi32, #tpu.memory_space<hbm>>
      tpu.enqueue_dma source(%dma_start3A_393 : memref<2560xi32, #tpu.memory_space<hbm>>) target(%arg8 : memref<2560xi32, #tpu.memory_space<vmem>>) target_semaphore(%run_scoped3A : memref<!tpu.dma_semaphore, #tpu.memory_space<semaphore_mem>>)
      %dma_wait3A_394 = tpu.memref_slice %arg3[%mul3A_4] : memref<81920xi32, #tpu.memory_space<hbm>> -> memref<2560xi32, #tpu.memory_space<hbm>>
      %dma_wait3A_395 = tpu.memref_slice %arg3[%mul3A_4] : memref<81920xi32, #tpu.memory_space<hbm>> -> memref<2560xi32, #tpu.memory_space<hbm>>
      tpu.wait_dma2 semaphore(%run_scoped3A : memref<!tpu.dma_semaphore, #tpu.memory_space<semaphore_mem>>) src(%dma_wait3A_395 : memref<2560xi32, #tpu.memory_space<hbm>>) dst(%arg8 : memref<2560xi32, #tpu.memory_space<vmem>>)
      tpu.yield
    }) : () -> ()
    %dma_start3A = arith.constant 0 : i32
    %dma_start3A_5 = arith.constant 0 : i32
    %dma_start3A_6 = tpu.memref_slice %arg9[%dma_start3A, %dma_start3A_5] : memref<512x16xf32, #tpu.memory_space<vmem>> -> memref<128x16xf32, #tpu.memory_space<vmem>>
    %dma_start3A_7 = arith.constant 0 : i32
    %dma_start3A_8 = tpu.memref_slice %arg7[%dma_start3A_7] : memref<512xi32, #tpu.memory_space<vmem>> -> memref<128xi32, #tpu.memory_space<vmem>>
    %dma_start3A_9 = arith.constant 0 : i32
    %dma_start3A_10 = arith.constant 0 : i32
    %dma_start3A_11 = tpu.memref_slice %arg4[%dma_start3A_9, %dma_start3A_10] : memref<1000000x16xf32, #tpu.memory_space<hbm>> -> memref<1000000x16xf32, #tpu.memory_space<hbm>>
    tpu.enqueue_indirect_dma source(%dma_start3A_11 : memref<1000000x16xf32, #tpu.memory_space<hbm>>) target(%dma_start3A_6 : memref<128x16xf32, #tpu.memory_space<vmem>>) offsets(%dma_start3A_8 : memref<128xi32, #tpu.memory_space<vmem>>) semaphore(%arg12 : memref<!tpu.dma_semaphore, #tpu.memory_space<semaphore_mem>>)
    %dma_start3A_12 = arith.constant 128 : i32
    %dma_start3A_13 = arith.constant 0 : i32
    %dma_start3A_14 = tpu.memref_slice %arg9[%dma_start3A_12, %dma_start3A_13] : memref<512x16xf32, #tpu.memory_space<vmem>> -> memref<128x16xf32, #tpu.memory_space<vmem>>
    %dma_start3A_15 = arith.constant 128 : i32
    %dma_start3A_16 = tpu.memref_slice %arg7[%dma_start3A_15] : memref<512xi32, #tpu.memory_space<vmem>> -> memref<128xi32, #tpu.memory_space<vmem>>
    %dma_start3A_17 = arith.constant 0 : i32
    %dma_start3A_18 = arith.constant 0 : i32
    %dma_start3A_19 = tpu.memref_slice %arg4[%dma_start3A_17, %dma_start3A_18] : memref<1000000x16xf32, #tpu.memory_space<hbm>> -> memref<1000000x16xf32, #tpu.memory_space<hbm>>
    tpu.enqueue_indirect_dma source(%dma_start3A_19 : memref<1000000x16xf32, #tpu.memory_space<hbm>>) target(%dma_start3A_14 : memref<128x16xf32, #tpu.memory_space<vmem>>) offsets(%dma_start3A_16 : memref<128xi32, #tpu.memory_space<vmem>>) semaphore(%arg12 : memref<!tpu.dma_semaphore, #tpu.memory_space<semaphore_mem>>)
    %dma_start3A_20 = arith.constant 256 : i32
    %dma_start3A_21 = arith.constant 0 : i32
    %dma_start3A_22 = tpu.memref_slice %arg9[%dma_start3A_20, %dma_start3A_21] : memref<512x16xf32, #tpu.memory_space<vmem>> -> memref<128x16xf32, #tpu.memory_space<vmem>>
    %dma_start3A_23 = arith.constant 256 : i32
    %dma_start3A_24 = tpu.memref_slice %arg7[%dma_start3A_23] : memref<512xi32, #tpu.memory_space<vmem>> -> memref<128xi32, #tpu.memory_space<vmem>>
    %dma_start3A_25 = arith.constant 0 : i32
    %dma_start3A_26 = arith.constant 0 : i32
    %dma_start3A_27 = tpu.memref_slice %arg4[%dma_start3A_25, %dma_start3A_26] : memref<1000000x16xf32, #tpu.memory_space<hbm>> -> memref<1000000x16xf32, #tpu.memory_space<hbm>>
    tpu.enqueue_indirect_dma source(%dma_start3A_27 : memref<1000000x16xf32, #tpu.memory_space<hbm>>) target(%dma_start3A_22 : memref<128x16xf32, #tpu.memory_space<vmem>>) offsets(%dma_start3A_24 : memref<128xi32, #tpu.memory_space<vmem>>) semaphore(%arg12 : memref<!tpu.dma_semaphore, #tpu.memory_space<semaphore_mem>>)
    %dma_start3A_28 = arith.constant 384 : i32
    %dma_start3A_29 = arith.constant 0 : i32
    %dma_start3A_30 = tpu.memref_slice %arg9[%dma_start3A_28, %dma_start3A_29] : memref<512x16xf32, #tpu.memory_space<vmem>> -> memref<128x16xf32, #tpu.memory_space<vmem>>
    %dma_start3A_31 = arith.constant 384 : i32
    %dma_start3A_32 = tpu.memref_slice %arg7[%dma_start3A_31] : memref<512xi32, #tpu.memory_space<vmem>> -> memref<128xi32, #tpu.memory_space<vmem>>
    %dma_start3A_33 = arith.constant 0 : i32
    %dma_start3A_34 = arith.constant 0 : i32
    %dma_start3A_35 = tpu.memref_slice %arg4[%dma_start3A_33, %dma_start3A_34] : memref<1000000x16xf32, #tpu.memory_space<hbm>> -> memref<1000000x16xf32, #tpu.memory_space<hbm>>
    tpu.enqueue_indirect_dma source(%dma_start3A_35 : memref<1000000x16xf32, #tpu.memory_space<hbm>>) target(%dma_start3A_30 : memref<128x16xf32, #tpu.memory_space<vmem>>) offsets(%dma_start3A_32 : memref<128xi32, #tpu.memory_space<vmem>>) semaphore(%arg12 : memref<!tpu.dma_semaphore, #tpu.memory_space<semaphore_mem>>)
    %dma_start3A_36 = arith.constant 0 : i32
    %dma_start3A_37 = arith.constant 0 : i32
    %dma_start3A_38 = tpu.memref_slice %arg10[%dma_start3A_36, %dma_start3A_37] : memref<2560x16xf32, #tpu.memory_space<vmem>> -> memref<128x16xf32, #tpu.memory_space<vmem>>
    %dma_start3A_39 = arith.constant 0 : i32
    %dma_start3A_40 = tpu.memref_slice %arg8[%dma_start3A_39] : memref<2560xi32, #tpu.memory_space<vmem>> -> memref<128xi32, #tpu.memory_space<vmem>>
    %dma_start3A_41 = arith.constant 0 : i32
    %dma_start3A_42 = arith.constant 0 : i32
    %dma_start3A_43 = tpu.memref_slice %arg5[%dma_start3A_41, %dma_start3A_42] : memref<1000000x16xf32, #tpu.memory_space<hbm>> -> memref<1000000x16xf32, #tpu.memory_space<hbm>>
    tpu.enqueue_indirect_dma source(%dma_start3A_43 : memref<1000000x16xf32, #tpu.memory_space<hbm>>) target(%dma_start3A_38 : memref<128x16xf32, #tpu.memory_space<vmem>>) offsets(%dma_start3A_40 : memref<128xi32, #tpu.memory_space<vmem>>) semaphore(%arg12 : memref<!tpu.dma_semaphore, #tpu.memory_space<semaphore_mem>>)
    %dma_start3A_44 = arith.constant 128 : i32
    %dma_start3A_45 = arith.constant 0 : i32
    %dma_start3A_46 = tpu.memref_slice %arg10[%dma_start3A_44, %dma_start3A_45] : memref<2560x16xf32, #tpu.memory_space<vmem>> -> memref<128x16xf32, #tpu.memory_space<vmem>>
    %dma_start3A_47 = arith.constant 128 : i32
    %dma_start3A_48 = tpu.memref_slice %arg8[%dma_start3A_47] : memref<2560xi32, #tpu.memory_space<vmem>> -> memref<128xi32, #tpu.memory_space<vmem>>
    %dma_start3A_49 = arith.constant 0 : i32
    %dma_start3A_50 = arith.constant 0 : i32
    %dma_start3A_51 = tpu.memref_slice %arg5[%dma_start3A_49, %dma_start3A_50] : memref<1000000x16xf32, #tpu.memory_space<hbm>> -> memref<1000000x16xf32, #tpu.memory_space<hbm>>
    tpu.enqueue_indirect_dma source(%dma_start3A_51 : memref<1000000x16xf32, #tpu.memory_space<hbm>>) target(%dma_start3A_46 : memref<128x16xf32, #tpu.memory_space<vmem>>) offsets(%dma_start3A_48 : memref<128xi32, #tpu.memory_space<vmem>>) semaphore(%arg12 : memref<!tpu.dma_semaphore, #tpu.memory_space<semaphore_mem>>)
    %dma_start3A_52 = arith.constant 256 : i32
    %dma_start3A_53 = arith.constant 0 : i32
    %dma_start3A_54 = tpu.memref_slice %arg10[%dma_start3A_52, %dma_start3A_53] : memref<2560x16xf32, #tpu.memory_space<vmem>> -> memref<128x16xf32, #tpu.memory_space<vmem>>
    %dma_start3A_55 = arith.constant 256 : i32
    %dma_start3A_56 = tpu.memref_slice %arg8[%dma_start3A_55] : memref<2560xi32, #tpu.memory_space<vmem>> -> memref<128xi32, #tpu.memory_space<vmem>>
    %dma_start3A_57 = arith.constant 0 : i32
    %dma_start3A_58 = arith.constant 0 : i32
    %dma_start3A_59 = tpu.memref_slice %arg5[%dma_start3A_57, %dma_start3A_58] : memref<1000000x16xf32, #tpu.memory_space<hbm>> -> memref<1000000x16xf32, #tpu.memory_space<hbm>>
    tpu.enqueue_indirect_dma source(%dma_start3A_59 : memref<1000000x16xf32, #tpu.memory_space<hbm>>) target(%dma_start3A_54 : memref<128x16xf32, #tpu.memory_space<vmem>>) offsets(%dma_start3A_56 : memref<128xi32, #tpu.memory_space<vmem>>) semaphore(%arg12 : memref<!tpu.dma_semaphore, #tpu.memory_space<semaphore_mem>>)
    %dma_start3A_60 = arith.constant 384 : i32
    %dma_start3A_61 = arith.constant 0 : i32
    %dma_start3A_62 = tpu.memref_slice %arg10[%dma_start3A_60, %dma_start3A_61] : memref<2560x16xf32, #tpu.memory_space<vmem>> -> memref<128x16xf32, #tpu.memory_space<vmem>>
    %dma_start3A_63 = arith.constant 384 : i32
    %dma_start3A_64 = tpu.memref_slice %arg8[%dma_start3A_63] : memref<2560xi32, #tpu.memory_space<vmem>> -> memref<128xi32, #tpu.memory_space<vmem>>
    %dma_start3A_65 = arith.constant 0 : i32
    %dma_start3A_66 = arith.constant 0 : i32
    %dma_start3A_67 = tpu.memref_slice %arg5[%dma_start3A_65, %dma_start3A_66] : memref<1000000x16xf32, #tpu.memory_space<hbm>> -> memref<1000000x16xf32, #tpu.memory_space<hbm>>
    tpu.enqueue_indirect_dma source(%dma_start3A_67 : memref<1000000x16xf32, #tpu.memory_space<hbm>>) target(%dma_start3A_62 : memref<128x16xf32, #tpu.memory_space<vmem>>) offsets(%dma_start3A_64 : memref<128xi32, #tpu.memory_space<vmem>>) semaphore(%arg12 : memref<!tpu.dma_semaphore, #tpu.memory_space<semaphore_mem>>)
    %dma_start3A_68 = arith.constant 512 : i32
    %dma_start3A_69 = arith.constant 0 : i32
    %dma_start3A_70 = tpu.memref_slice %arg10[%dma_start3A_68, %dma_start3A_69] : memref<2560x16xf32, #tpu.memory_space<vmem>> -> memref<128x16xf32, #tpu.memory_space<vmem>>
    %dma_start3A_71 = arith.constant 512 : i32
    %dma_start3A_72 = tpu.memref_slice %arg8[%dma_start3A_71] : memref<2560xi32, #tpu.memory_space<vmem>> -> memref<128xi32, #tpu.memory_space<vmem>>
    %dma_start3A_73 = arith.constant 0 : i32
    %dma_start3A_74 = arith.constant 0 : i32
    %dma_start3A_75 = tpu.memref_slice %arg5[%dma_start3A_73, %dma_start3A_74] : memref<1000000x16xf32, #tpu.memory_space<hbm>> -> memref<1000000x16xf32, #tpu.memory_space<hbm>>
    tpu.enqueue_indirect_dma source(%dma_start3A_75 : memref<1000000x16xf32, #tpu.memory_space<hbm>>) target(%dma_start3A_70 : memref<128x16xf32, #tpu.memory_space<vmem>>) offsets(%dma_start3A_72 : memref<128xi32, #tpu.memory_space<vmem>>) semaphore(%arg12 : memref<!tpu.dma_semaphore, #tpu.memory_space<semaphore_mem>>)
    %dma_start3A_76 = arith.constant 640 : i32
    %dma_start3A_77 = arith.constant 0 : i32
    %dma_start3A_78 = tpu.memref_slice %arg10[%dma_start3A_76, %dma_start3A_77] : memref<2560x16xf32, #tpu.memory_space<vmem>> -> memref<128x16xf32, #tpu.memory_space<vmem>>
    %dma_start3A_79 = arith.constant 640 : i32
    %dma_start3A_80 = tpu.memref_slice %arg8[%dma_start3A_79] : memref<2560xi32, #tpu.memory_space<vmem>> -> memref<128xi32, #tpu.memory_space<vmem>>
    %dma_start3A_81 = arith.constant 0 : i32
    %dma_start3A_82 = arith.constant 0 : i32
    %dma_start3A_83 = tpu.memref_slice %arg5[%dma_start3A_81, %dma_start3A_82] : memref<1000000x16xf32, #tpu.memory_space<hbm>> -> memref<1000000x16xf32, #tpu.memory_space<hbm>>
    tpu.enqueue_indirect_dma source(%dma_start3A_83 : memref<1000000x16xf32, #tpu.memory_space<hbm>>) target(%dma_start3A_78 : memref<128x16xf32, #tpu.memory_space<vmem>>) offsets(%dma_start3A_80 : memref<128xi32, #tpu.memory_space<vmem>>) semaphore(%arg12 : memref<!tpu.dma_semaphore, #tpu.memory_space<semaphore_mem>>)
    %dma_start3A_84 = arith.constant 768 : i32
    %dma_start3A_85 = arith.constant 0 : i32
    %dma_start3A_86 = tpu.memref_slice %arg10[%dma_start3A_84, %dma_start3A_85] : memref<2560x16xf32, #tpu.memory_space<vmem>> -> memref<128x16xf32, #tpu.memory_space<vmem>>
    %dma_start3A_87 = arith.constant 768 : i32
    %dma_start3A_88 = tpu.memref_slice %arg8[%dma_start3A_87] : memref<2560xi32, #tpu.memory_space<vmem>> -> memref<128xi32, #tpu.memory_space<vmem>>
    %dma_start3A_89 = arith.constant 0 : i32
    %dma_start3A_90 = arith.constant 0 : i32
    %dma_start3A_91 = tpu.memref_slice %arg5[%dma_start3A_89, %dma_start3A_90] : memref<1000000x16xf32, #tpu.memory_space<hbm>> -> memref<1000000x16xf32, #tpu.memory_space<hbm>>
    tpu.enqueue_indirect_dma source(%dma_start3A_91 : memref<1000000x16xf32, #tpu.memory_space<hbm>>) target(%dma_start3A_86 : memref<128x16xf32, #tpu.memory_space<vmem>>) offsets(%dma_start3A_88 : memref<128xi32, #tpu.memory_space<vmem>>) semaphore(%arg12 : memref<!tpu.dma_semaphore, #tpu.memory_space<semaphore_mem>>)
    %dma_start3A_92 = arith.constant 896 : i32
    %dma_start3A_93 = arith.constant 0 : i32
    %dma_start3A_94 = tpu.memref_slice %arg10[%dma_start3A_92, %dma_start3A_93] : memref<2560x16xf32, #tpu.memory_space<vmem>> -> memref<128x16xf32, #tpu.memory_space<vmem>>
    %dma_start3A_95 = arith.constant 896 : i32
    %dma_start3A_96 = tpu.memref_slice %arg8[%dma_start3A_95] : memref<2560xi32, #tpu.memory_space<vmem>> -> memref<128xi32, #tpu.memory_space<vmem>>
    %dma_start3A_97 = arith.constant 0 : i32
    %dma_start3A_98 = arith.constant 0 : i32
    %dma_start3A_99 = tpu.memref_slice %arg5[%dma_start3A_97, %dma_start3A_98] : memref<1000000x16xf32, #tpu.memory_space<hbm>> -> memref<1000000x16xf32, #tpu.memory_space<hbm>>
    tpu.enqueue_indirect_dma source(%dma_start3A_99 : memref<1000000x16xf32, #tpu.memory_space<hbm>>) target(%dma_start3A_94 : memref<128x16xf32, #tpu.memory_space<vmem>>) offsets(%dma_start3A_96 : memref<128xi32, #tpu.memory_space<vmem>>) semaphore(%arg12 : memref<!tpu.dma_semaphore, #tpu.memory_space<semaphore_mem>>)
    %dma_start3A_100 = arith.constant 1024 : i32
    %dma_start3A_101 = arith.constant 0 : i32
    %dma_start3A_102 = tpu.memref_slice %arg10[%dma_start3A_100, %dma_start3A_101] : memref<2560x16xf32, #tpu.memory_space<vmem>> -> memref<128x16xf32, #tpu.memory_space<vmem>>
    %dma_start3A_103 = arith.constant 1024 : i32
    %dma_start3A_104 = tpu.memref_slice %arg8[%dma_start3A_103] : memref<2560xi32, #tpu.memory_space<vmem>> -> memref<128xi32, #tpu.memory_space<vmem>>
    %dma_start3A_105 = arith.constant 0 : i32
    %dma_start3A_106 = arith.constant 0 : i32
    %dma_start3A_107 = tpu.memref_slice %arg5[%dma_start3A_105, %dma_start3A_106] : memref<1000000x16xf32, #tpu.memory_space<hbm>> -> memref<1000000x16xf32, #tpu.memory_space<hbm>>
    tpu.enqueue_indirect_dma source(%dma_start3A_107 : memref<1000000x16xf32, #tpu.memory_space<hbm>>) target(%dma_start3A_102 : memref<128x16xf32, #tpu.memory_space<vmem>>) offsets(%dma_start3A_104 : memref<128xi32, #tpu.memory_space<vmem>>) semaphore(%arg12 : memref<!tpu.dma_semaphore, #tpu.memory_space<semaphore_mem>>)
    %dma_start3A_108 = arith.constant 1152 : i32
    %dma_start3A_109 = arith.constant 0 : i32
    %dma_start3A_110 = tpu.memref_slice %arg10[%dma_start3A_108, %dma_start3A_109] : memref<2560x16xf32, #tpu.memory_space<vmem>> -> memref<128x16xf32, #tpu.memory_space<vmem>>
    %dma_start3A_111 = arith.constant 1152 : i32
    %dma_start3A_112 = tpu.memref_slice %arg8[%dma_start3A_111] : memref<2560xi32, #tpu.memory_space<vmem>> -> memref<128xi32, #tpu.memory_space<vmem>>
    %dma_start3A_113 = arith.constant 0 : i32
    %dma_start3A_114 = arith.constant 0 : i32
    %dma_start3A_115 = tpu.memref_slice %arg5[%dma_start3A_113, %dma_start3A_114] : memref<1000000x16xf32, #tpu.memory_space<hbm>> -> memref<1000000x16xf32, #tpu.memory_space<hbm>>
    tpu.enqueue_indirect_dma source(%dma_start3A_115 : memref<1000000x16xf32, #tpu.memory_space<hbm>>) target(%dma_start3A_110 : memref<128x16xf32, #tpu.memory_space<vmem>>) offsets(%dma_start3A_112 : memref<128xi32, #tpu.memory_space<vmem>>) semaphore(%arg12 : memref<!tpu.dma_semaphore, #tpu.memory_space<semaphore_mem>>)
    %dma_start3A_116 = arith.constant 1280 : i32
    %dma_start3A_117 = arith.constant 0 : i32
    %dma_start3A_118 = tpu.memref_slice %arg10[%dma_start3A_116, %dma_start3A_117] : memref<2560x16xf32, #tpu.memory_space<vmem>> -> memref<128x16xf32, #tpu.memory_space<vmem>>
    %dma_start3A_119 = arith.constant 1280 : i32
    %dma_start3A_120 = tpu.memref_slice %arg8[%dma_start3A_119] : memref<2560xi32, #tpu.memory_space<vmem>> -> memref<128xi32, #tpu.memory_space<vmem>>
    %dma_start3A_121 = arith.constant 0 : i32
    %dma_start3A_122 = arith.constant 0 : i32
    %dma_start3A_123 = tpu.memref_slice %arg5[%dma_start3A_121, %dma_start3A_122] : memref<1000000x16xf32, #tpu.memory_space<hbm>> -> memref<1000000x16xf32, #tpu.memory_space<hbm>>
    tpu.enqueue_indirect_dma source(%dma_start3A_123 : memref<1000000x16xf32, #tpu.memory_space<hbm>>) target(%dma_start3A_118 : memref<128x16xf32, #tpu.memory_space<vmem>>) offsets(%dma_start3A_120 : memref<128xi32, #tpu.memory_space<vmem>>) semaphore(%arg12 : memref<!tpu.dma_semaphore, #tpu.memory_space<semaphore_mem>>)
    %dma_start3A_124 = arith.constant 1408 : i32
    %dma_start3A_125 = arith.constant 0 : i32
    %dma_start3A_126 = tpu.memref_slice %arg10[%dma_start3A_124, %dma_start3A_125] : memref<2560x16xf32, #tpu.memory_space<vmem>> -> memref<128x16xf32, #tpu.memory_space<vmem>>
    %dma_start3A_127 = arith.constant 1408 : i32
    %dma_start3A_128 = tpu.memref_slice %arg8[%dma_start3A_127] : memref<2560xi32, #tpu.memory_space<vmem>> -> memref<128xi32, #tpu.memory_space<vmem>>
    %dma_start3A_129 = arith.constant 0 : i32
    %dma_start3A_130 = arith.constant 0 : i32
    %dma_start3A_131 = tpu.memref_slice %arg5[%dma_start3A_129, %dma_start3A_130] : memref<1000000x16xf32, #tpu.memory_space<hbm>> -> memref<1000000x16xf32, #tpu.memory_space<hbm>>
    tpu.enqueue_indirect_dma source(%dma_start3A_131 : memref<1000000x16xf32, #tpu.memory_space<hbm>>) target(%dma_start3A_126 : memref<128x16xf32, #tpu.memory_space<vmem>>) offsets(%dma_start3A_128 : memref<128xi32, #tpu.memory_space<vmem>>) semaphore(%arg12 : memref<!tpu.dma_semaphore, #tpu.memory_space<semaphore_mem>>)
    %dma_start3A_132 = arith.constant 1536 : i32
    %dma_start3A_133 = arith.constant 0 : i32
    %dma_start3A_134 = tpu.memref_slice %arg10[%dma_start3A_132, %dma_start3A_133] : memref<2560x16xf32, #tpu.memory_space<vmem>> -> memref<128x16xf32, #tpu.memory_space<vmem>>
    %dma_start3A_135 = arith.constant 1536 : i32
    %dma_start3A_136 = tpu.memref_slice %arg8[%dma_start3A_135] : memref<2560xi32, #tpu.memory_space<vmem>> -> memref<128xi32, #tpu.memory_space<vmem>>
    %dma_start3A_137 = arith.constant 0 : i32
    %dma_start3A_138 = arith.constant 0 : i32
    %dma_start3A_139 = tpu.memref_slice %arg5[%dma_start3A_137, %dma_start3A_138] : memref<1000000x16xf32, #tpu.memory_space<hbm>> -> memref<1000000x16xf32, #tpu.memory_space<hbm>>
    tpu.enqueue_indirect_dma source(%dma_start3A_139 : memref<1000000x16xf32, #tpu.memory_space<hbm>>) target(%dma_start3A_134 : memref<128x16xf32, #tpu.memory_space<vmem>>) offsets(%dma_start3A_136 : memref<128xi32, #tpu.memory_space<vmem>>) semaphore(%arg12 : memref<!tpu.dma_semaphore, #tpu.memory_space<semaphore_mem>>)
    %dma_start3A_140 = arith.constant 1664 : i32
    %dma_start3A_141 = arith.constant 0 : i32
    %dma_start3A_142 = tpu.memref_slice %arg10[%dma_start3A_140, %dma_start3A_141] : memref<2560x16xf32, #tpu.memory_space<vmem>> -> memref<128x16xf32, #tpu.memory_space<vmem>>
    %dma_start3A_143 = arith.constant 1664 : i32
    %dma_start3A_144 = tpu.memref_slice %arg8[%dma_start3A_143] : memref<2560xi32, #tpu.memory_space<vmem>> -> memref<128xi32, #tpu.memory_space<vmem>>
    %dma_start3A_145 = arith.constant 0 : i32
    %dma_start3A_146 = arith.constant 0 : i32
    %dma_start3A_147 = tpu.memref_slice %arg5[%dma_start3A_145, %dma_start3A_146] : memref<1000000x16xf32, #tpu.memory_space<hbm>> -> memref<1000000x16xf32, #tpu.memory_space<hbm>>
    tpu.enqueue_indirect_dma source(%dma_start3A_147 : memref<1000000x16xf32, #tpu.memory_space<hbm>>) target(%dma_start3A_142 : memref<128x16xf32, #tpu.memory_space<vmem>>) offsets(%dma_start3A_144 : memref<128xi32, #tpu.memory_space<vmem>>) semaphore(%arg12 : memref<!tpu.dma_semaphore, #tpu.memory_space<semaphore_mem>>)
    %dma_start3A_148 = arith.constant 1792 : i32
    %dma_start3A_149 = arith.constant 0 : i32
    %dma_start3A_150 = tpu.memref_slice %arg10[%dma_start3A_148, %dma_start3A_149] : memref<2560x16xf32, #tpu.memory_space<vmem>> -> memref<128x16xf32, #tpu.memory_space<vmem>>
    %dma_start3A_151 = arith.constant 1792 : i32
    %dma_start3A_152 = tpu.memref_slice %arg8[%dma_start3A_151] : memref<2560xi32, #tpu.memory_space<vmem>> -> memref<128xi32, #tpu.memory_space<vmem>>
    %dma_start3A_153 = arith.constant 0 : i32
    %dma_start3A_154 = arith.constant 0 : i32
    %dma_start3A_155 = tpu.memref_slice %arg5[%dma_start3A_153, %dma_start3A_154] : memref<1000000x16xf32, #tpu.memory_space<hbm>> -> memref<1000000x16xf32, #tpu.memory_space<hbm>>
    tpu.enqueue_indirect_dma source(%dma_start3A_155 : memref<1000000x16xf32, #tpu.memory_space<hbm>>) target(%dma_start3A_150 : memref<128x16xf32, #tpu.memory_space<vmem>>) offsets(%dma_start3A_152 : memref<128xi32, #tpu.memory_space<vmem>>) semaphore(%arg12 : memref<!tpu.dma_semaphore, #tpu.memory_space<semaphore_mem>>)
    %dma_start3A_156 = arith.constant 1920 : i32
    %dma_start3A_157 = arith.constant 0 : i32
    %dma_start3A_158 = tpu.memref_slice %arg10[%dma_start3A_156, %dma_start3A_157] : memref<2560x16xf32, #tpu.memory_space<vmem>> -> memref<128x16xf32, #tpu.memory_space<vmem>>
    %dma_start3A_159 = arith.constant 1920 : i32
    %dma_start3A_160 = tpu.memref_slice %arg8[%dma_start3A_159] : memref<2560xi32, #tpu.memory_space<vmem>> -> memref<128xi32, #tpu.memory_space<vmem>>
    %dma_start3A_161 = arith.constant 0 : i32
    %dma_start3A_162 = arith.constant 0 : i32
    %dma_start3A_163 = tpu.memref_slice %arg5[%dma_start3A_161, %dma_start3A_162] : memref<1000000x16xf32, #tpu.memory_space<hbm>> -> memref<1000000x16xf32, #tpu.memory_space<hbm>>
    tpu.enqueue_indirect_dma source(%dma_start3A_163 : memref<1000000x16xf32, #tpu.memory_space<hbm>>) target(%dma_start3A_158 : memref<128x16xf32, #tpu.memory_space<vmem>>) offsets(%dma_start3A_160 : memref<128xi32, #tpu.memory_space<vmem>>) semaphore(%arg12 : memref<!tpu.dma_semaphore, #tpu.memory_space<semaphore_mem>>)
    %dma_start3A_164 = arith.constant 2048 : i32
    %dma_start3A_165 = arith.constant 0 : i32
    %dma_start3A_166 = tpu.memref_slice %arg10[%dma_start3A_164, %dma_start3A_165] : memref<2560x16xf32, #tpu.memory_space<vmem>> -> memref<128x16xf32, #tpu.memory_space<vmem>>
    %dma_start3A_167 = arith.constant 2048 : i32
    %dma_start3A_168 = tpu.memref_slice %arg8[%dma_start3A_167] : memref<2560xi32, #tpu.memory_space<vmem>> -> memref<128xi32, #tpu.memory_space<vmem>>
    %dma_start3A_169 = arith.constant 0 : i32
    %dma_start3A_170 = arith.constant 0 : i32
    %dma_start3A_171 = tpu.memref_slice %arg5[%dma_start3A_169, %dma_start3A_170] : memref<1000000x16xf32, #tpu.memory_space<hbm>> -> memref<1000000x16xf32, #tpu.memory_space<hbm>>
    tpu.enqueue_indirect_dma source(%dma_start3A_171 : memref<1000000x16xf32, #tpu.memory_space<hbm>>) target(%dma_start3A_166 : memref<128x16xf32, #tpu.memory_space<vmem>>) offsets(%dma_start3A_168 : memref<128xi32, #tpu.memory_space<vmem>>) semaphore(%arg12 : memref<!tpu.dma_semaphore, #tpu.memory_space<semaphore_mem>>)
    %dma_start3A_172 = arith.constant 2176 : i32
    %dma_start3A_173 = arith.constant 0 : i32
    %dma_start3A_174 = tpu.memref_slice %arg10[%dma_start3A_172, %dma_start3A_173] : memref<2560x16xf32, #tpu.memory_space<vmem>> -> memref<128x16xf32, #tpu.memory_space<vmem>>
    %dma_start3A_175 = arith.constant 2176 : i32
    %dma_start3A_176 = tpu.memref_slice %arg8[%dma_start3A_175] : memref<2560xi32, #tpu.memory_space<vmem>> -> memref<128xi32, #tpu.memory_space<vmem>>
    %dma_start3A_177 = arith.constant 0 : i32
    %dma_start3A_178 = arith.constant 0 : i32
    %dma_start3A_179 = tpu.memref_slice %arg5[%dma_start3A_177, %dma_start3A_178] : memref<1000000x16xf32, #tpu.memory_space<hbm>> -> memref<1000000x16xf32, #tpu.memory_space<hbm>>
    tpu.enqueue_indirect_dma source(%dma_start3A_179 : memref<1000000x16xf32, #tpu.memory_space<hbm>>) target(%dma_start3A_174 : memref<128x16xf32, #tpu.memory_space<vmem>>) offsets(%dma_start3A_176 : memref<128xi32, #tpu.memory_space<vmem>>) semaphore(%arg12 : memref<!tpu.dma_semaphore, #tpu.memory_space<semaphore_mem>>)
    %dma_start3A_180 = arith.constant 2304 : i32
    %dma_start3A_181 = arith.constant 0 : i32
    %dma_start3A_182 = tpu.memref_slice %arg10[%dma_start3A_180, %dma_start3A_181] : memref<2560x16xf32, #tpu.memory_space<vmem>> -> memref<128x16xf32, #tpu.memory_space<vmem>>
    %dma_start3A_183 = arith.constant 2304 : i32
    %dma_start3A_184 = tpu.memref_slice %arg8[%dma_start3A_183] : memref<2560xi32, #tpu.memory_space<vmem>> -> memref<128xi32, #tpu.memory_space<vmem>>
    %dma_start3A_185 = arith.constant 0 : i32
    %dma_start3A_186 = arith.constant 0 : i32
    %dma_start3A_187 = tpu.memref_slice %arg5[%dma_start3A_185, %dma_start3A_186] : memref<1000000x16xf32, #tpu.memory_space<hbm>> -> memref<1000000x16xf32, #tpu.memory_space<hbm>>
    tpu.enqueue_indirect_dma source(%dma_start3A_187 : memref<1000000x16xf32, #tpu.memory_space<hbm>>) target(%dma_start3A_182 : memref<128x16xf32, #tpu.memory_space<vmem>>) offsets(%dma_start3A_184 : memref<128xi32, #tpu.memory_space<vmem>>) semaphore(%arg12 : memref<!tpu.dma_semaphore, #tpu.memory_space<semaphore_mem>>)
    %dma_start3A_188 = arith.constant 2432 : i32
    %dma_start3A_189 = arith.constant 0 : i32
    %dma_start3A_190 = tpu.memref_slice %arg10[%dma_start3A_188, %dma_start3A_189] : memref<2560x16xf32, #tpu.memory_space<vmem>> -> memref<128x16xf32, #tpu.memory_space<vmem>>
    %dma_start3A_191 = arith.constant 2432 : i32
    %dma_start3A_192 = tpu.memref_slice %arg8[%dma_start3A_191] : memref<2560xi32, #tpu.memory_space<vmem>> -> memref<128xi32, #tpu.memory_space<vmem>>
    %dma_start3A_193 = arith.constant 0 : i32
    %dma_start3A_194 = arith.constant 0 : i32
    %dma_start3A_195 = tpu.memref_slice %arg5[%dma_start3A_193, %dma_start3A_194] : memref<1000000x16xf32, #tpu.memory_space<hbm>> -> memref<1000000x16xf32, #tpu.memory_space<hbm>>
    tpu.enqueue_indirect_dma source(%dma_start3A_195 : memref<1000000x16xf32, #tpu.memory_space<hbm>>) target(%dma_start3A_190 : memref<128x16xf32, #tpu.memory_space<vmem>>) offsets(%dma_start3A_192 : memref<128xi32, #tpu.memory_space<vmem>>) semaphore(%arg12 : memref<!tpu.dma_semaphore, #tpu.memory_space<semaphore_mem>>)
    %dma_wait3A = arith.constant 0 : i32
    %dma_wait3A_196 = arith.constant 0 : i32
    %dma_wait3A_197 = tpu.memref_slice %arg9[%dma_wait3A, %dma_wait3A_196] : memref<512x16xf32, #tpu.memory_space<vmem>> -> memref<128x16xf32, #tpu.memory_space<vmem>>
    %dma_wait3A_198 = arith.constant 0 : i32
    %dma_wait3A_199 = tpu.memref_slice %arg7[%dma_wait3A_198] : memref<512xi32, #tpu.memory_space<vmem>> -> memref<128xi32, #tpu.memory_space<vmem>>
    %dma_wait3A_200 = arith.constant 0 : i32
    %dma_wait3A_201 = arith.constant 0 : i32
    %dma_wait3A_202 = tpu.memref_slice %arg4[%dma_wait3A_200, %dma_wait3A_201] : memref<1000000x16xf32, #tpu.memory_space<hbm>> -> memref<1000000x16xf32, #tpu.memory_space<hbm>>
    tpu.wait_indirect_dma semaphore(%arg12 : memref<!tpu.dma_semaphore, #tpu.memory_space<semaphore_mem>>) src(%dma_wait3A_202 : memref<1000000x16xf32, #tpu.memory_space<hbm>>) dst(%dma_wait3A_197 : memref<128x16xf32, #tpu.memory_space<vmem>>)
    %dma_wait3A_203 = arith.constant 128 : i32
    %dma_wait3A_204 = arith.constant 0 : i32
    %dma_wait3A_205 = tpu.memref_slice %arg9[%dma_wait3A_203, %dma_wait3A_204] : memref<512x16xf32, #tpu.memory_space<vmem>> -> memref<128x16xf32, #tpu.memory_space<vmem>>
    %dma_wait3A_206 = arith.constant 128 : i32
    %dma_wait3A_207 = tpu.memref_slice %arg7[%dma_wait3A_206] : memref<512xi32, #tpu.memory_space<vmem>> -> memref<128xi32, #tpu.memory_space<vmem>>
    %dma_wait3A_208 = arith.constant 0 : i32
    %dma_wait3A_209 = arith.constant 0 : i32
    %dma_wait3A_210 = tpu.memref_slice %arg4[%dma_wait3A_208, %dma_wait3A_209] : memref<1000000x16xf32, #tpu.memory_space<hbm>> -> memref<1000000x16xf32, #tpu.memory_space<hbm>>
    tpu.wait_indirect_dma semaphore(%arg12 : memref<!tpu.dma_semaphore, #tpu.memory_space<semaphore_mem>>) src(%dma_wait3A_210 : memref<1000000x16xf32, #tpu.memory_space<hbm>>) dst(%dma_wait3A_205 : memref<128x16xf32, #tpu.memory_space<vmem>>)
    %dma_wait3A_211 = arith.constant 256 : i32
    %dma_wait3A_212 = arith.constant 0 : i32
    %dma_wait3A_213 = tpu.memref_slice %arg9[%dma_wait3A_211, %dma_wait3A_212] : memref<512x16xf32, #tpu.memory_space<vmem>> -> memref<128x16xf32, #tpu.memory_space<vmem>>
    %dma_wait3A_214 = arith.constant 256 : i32
    %dma_wait3A_215 = tpu.memref_slice %arg7[%dma_wait3A_214] : memref<512xi32, #tpu.memory_space<vmem>> -> memref<128xi32, #tpu.memory_space<vmem>>
    %dma_wait3A_216 = arith.constant 0 : i32
    %dma_wait3A_217 = arith.constant 0 : i32
    %dma_wait3A_218 = tpu.memref_slice %arg4[%dma_wait3A_216, %dma_wait3A_217] : memref<1000000x16xf32, #tpu.memory_space<hbm>> -> memref<1000000x16xf32, #tpu.memory_space<hbm>>
    tpu.wait_indirect_dma semaphore(%arg12 : memref<!tpu.dma_semaphore, #tpu.memory_space<semaphore_mem>>) src(%dma_wait3A_218 : memref<1000000x16xf32, #tpu.memory_space<hbm>>) dst(%dma_wait3A_213 : memref<128x16xf32, #tpu.memory_space<vmem>>)
    %dma_wait3A_219 = arith.constant 384 : i32
    %dma_wait3A_220 = arith.constant 0 : i32
    %dma_wait3A_221 = tpu.memref_slice %arg9[%dma_wait3A_219, %dma_wait3A_220] : memref<512x16xf32, #tpu.memory_space<vmem>> -> memref<128x16xf32, #tpu.memory_space<vmem>>
    %dma_wait3A_222 = arith.constant 384 : i32
    %dma_wait3A_223 = tpu.memref_slice %arg7[%dma_wait3A_222] : memref<512xi32, #tpu.memory_space<vmem>> -> memref<128xi32, #tpu.memory_space<vmem>>
    %dma_wait3A_224 = arith.constant 0 : i32
    %dma_wait3A_225 = arith.constant 0 : i32
    %dma_wait3A_226 = tpu.memref_slice %arg4[%dma_wait3A_224, %dma_wait3A_225] : memref<1000000x16xf32, #tpu.memory_space<hbm>> -> memref<1000000x16xf32, #tpu.memory_space<hbm>>
    tpu.wait_indirect_dma semaphore(%arg12 : memref<!tpu.dma_semaphore, #tpu.memory_space<semaphore_mem>>) src(%dma_wait3A_226 : memref<1000000x16xf32, #tpu.memory_space<hbm>>) dst(%dma_wait3A_221 : memref<128x16xf32, #tpu.memory_space<vmem>>)
    %dma_wait3A_227 = arith.constant 0 : i32
    %dma_wait3A_228 = arith.constant 0 : i32
    %dma_wait3A_229 = tpu.memref_slice %arg10[%dma_wait3A_227, %dma_wait3A_228] : memref<2560x16xf32, #tpu.memory_space<vmem>> -> memref<128x16xf32, #tpu.memory_space<vmem>>
    %dma_wait3A_230 = arith.constant 0 : i32
    %dma_wait3A_231 = tpu.memref_slice %arg8[%dma_wait3A_230] : memref<2560xi32, #tpu.memory_space<vmem>> -> memref<128xi32, #tpu.memory_space<vmem>>
    %dma_wait3A_232 = arith.constant 0 : i32
    %dma_wait3A_233 = arith.constant 0 : i32
    %dma_wait3A_234 = tpu.memref_slice %arg5[%dma_wait3A_232, %dma_wait3A_233] : memref<1000000x16xf32, #tpu.memory_space<hbm>> -> memref<1000000x16xf32, #tpu.memory_space<hbm>>
    tpu.wait_indirect_dma semaphore(%arg12 : memref<!tpu.dma_semaphore, #tpu.memory_space<semaphore_mem>>) src(%dma_wait3A_234 : memref<1000000x16xf32, #tpu.memory_space<hbm>>) dst(%dma_wait3A_229 : memref<128x16xf32, #tpu.memory_space<vmem>>)
    %dma_wait3A_235 = arith.constant 128 : i32
    %dma_wait3A_236 = arith.constant 0 : i32
    %dma_wait3A_237 = tpu.memref_slice %arg10[%dma_wait3A_235, %dma_wait3A_236] : memref<2560x16xf32, #tpu.memory_space<vmem>> -> memref<128x16xf32, #tpu.memory_space<vmem>>
    %dma_wait3A_238 = arith.constant 128 : i32
    %dma_wait3A_239 = tpu.memref_slice %arg8[%dma_wait3A_238] : memref<2560xi32, #tpu.memory_space<vmem>> -> memref<128xi32, #tpu.memory_space<vmem>>
    %dma_wait3A_240 = arith.constant 0 : i32
    %dma_wait3A_241 = arith.constant 0 : i32
    %dma_wait3A_242 = tpu.memref_slice %arg5[%dma_wait3A_240, %dma_wait3A_241] : memref<1000000x16xf32, #tpu.memory_space<hbm>> -> memref<1000000x16xf32, #tpu.memory_space<hbm>>
    tpu.wait_indirect_dma semaphore(%arg12 : memref<!tpu.dma_semaphore, #tpu.memory_space<semaphore_mem>>) src(%dma_wait3A_242 : memref<1000000x16xf32, #tpu.memory_space<hbm>>) dst(%dma_wait3A_237 : memref<128x16xf32, #tpu.memory_space<vmem>>)
    %dma_wait3A_243 = arith.constant 256 : i32
    %dma_wait3A_244 = arith.constant 0 : i32
    %dma_wait3A_245 = tpu.memref_slice %arg10[%dma_wait3A_243, %dma_wait3A_244] : memref<2560x16xf32, #tpu.memory_space<vmem>> -> memref<128x16xf32, #tpu.memory_space<vmem>>
    %dma_wait3A_246 = arith.constant 256 : i32
    %dma_wait3A_247 = tpu.memref_slice %arg8[%dma_wait3A_246] : memref<2560xi32, #tpu.memory_space<vmem>> -> memref<128xi32, #tpu.memory_space<vmem>>
    %dma_wait3A_248 = arith.constant 0 : i32
    %dma_wait3A_249 = arith.constant 0 : i32
    %dma_wait3A_250 = tpu.memref_slice %arg5[%dma_wait3A_248, %dma_wait3A_249] : memref<1000000x16xf32, #tpu.memory_space<hbm>> -> memref<1000000x16xf32, #tpu.memory_space<hbm>>
    tpu.wait_indirect_dma semaphore(%arg12 : memref<!tpu.dma_semaphore, #tpu.memory_space<semaphore_mem>>) src(%dma_wait3A_250 : memref<1000000x16xf32, #tpu.memory_space<hbm>>) dst(%dma_wait3A_245 : memref<128x16xf32, #tpu.memory_space<vmem>>)
    %dma_wait3A_251 = arith.constant 384 : i32
    %dma_wait3A_252 = arith.constant 0 : i32
    %dma_wait3A_253 = tpu.memref_slice %arg10[%dma_wait3A_251, %dma_wait3A_252] : memref<2560x16xf32, #tpu.memory_space<vmem>> -> memref<128x16xf32, #tpu.memory_space<vmem>>
    %dma_wait3A_254 = arith.constant 384 : i32
    %dma_wait3A_255 = tpu.memref_slice %arg8[%dma_wait3A_254] : memref<2560xi32, #tpu.memory_space<vmem>> -> memref<128xi32, #tpu.memory_space<vmem>>
    %dma_wait3A_256 = arith.constant 0 : i32
    %dma_wait3A_257 = arith.constant 0 : i32
    %dma_wait3A_258 = tpu.memref_slice %arg5[%dma_wait3A_256, %dma_wait3A_257] : memref<1000000x16xf32, #tpu.memory_space<hbm>> -> memref<1000000x16xf32, #tpu.memory_space<hbm>>
    tpu.wait_indirect_dma semaphore(%arg12 : memref<!tpu.dma_semaphore, #tpu.memory_space<semaphore_mem>>) src(%dma_wait3A_258 : memref<1000000x16xf32, #tpu.memory_space<hbm>>) dst(%dma_wait3A_253 : memref<128x16xf32, #tpu.memory_space<vmem>>)
    %dma_wait3A_259 = arith.constant 512 : i32
    %dma_wait3A_260 = arith.constant 0 : i32
    %dma_wait3A_261 = tpu.memref_slice %arg10[%dma_wait3A_259, %dma_wait3A_260] : memref<2560x16xf32, #tpu.memory_space<vmem>> -> memref<128x16xf32, #tpu.memory_space<vmem>>
    %dma_wait3A_262 = arith.constant 512 : i32
    %dma_wait3A_263 = tpu.memref_slice %arg8[%dma_wait3A_262] : memref<2560xi32, #tpu.memory_space<vmem>> -> memref<128xi32, #tpu.memory_space<vmem>>
    %dma_wait3A_264 = arith.constant 0 : i32
    %dma_wait3A_265 = arith.constant 0 : i32
    %dma_wait3A_266 = tpu.memref_slice %arg5[%dma_wait3A_264, %dma_wait3A_265] : memref<1000000x16xf32, #tpu.memory_space<hbm>> -> memref<1000000x16xf32, #tpu.memory_space<hbm>>
    tpu.wait_indirect_dma semaphore(%arg12 : memref<!tpu.dma_semaphore, #tpu.memory_space<semaphore_mem>>) src(%dma_wait3A_266 : memref<1000000x16xf32, #tpu.memory_space<hbm>>) dst(%dma_wait3A_261 : memref<128x16xf32, #tpu.memory_space<vmem>>)
    %dma_wait3A_267 = arith.constant 640 : i32
    %dma_wait3A_268 = arith.constant 0 : i32
    %dma_wait3A_269 = tpu.memref_slice %arg10[%dma_wait3A_267, %dma_wait3A_268] : memref<2560x16xf32, #tpu.memory_space<vmem>> -> memref<128x16xf32, #tpu.memory_space<vmem>>
    %dma_wait3A_270 = arith.constant 640 : i32
    %dma_wait3A_271 = tpu.memref_slice %arg8[%dma_wait3A_270] : memref<2560xi32, #tpu.memory_space<vmem>> -> memref<128xi32, #tpu.memory_space<vmem>>
    %dma_wait3A_272 = arith.constant 0 : i32
    %dma_wait3A_273 = arith.constant 0 : i32
    %dma_wait3A_274 = tpu.memref_slice %arg5[%dma_wait3A_272, %dma_wait3A_273] : memref<1000000x16xf32, #tpu.memory_space<hbm>> -> memref<1000000x16xf32, #tpu.memory_space<hbm>>
    tpu.wait_indirect_dma semaphore(%arg12 : memref<!tpu.dma_semaphore, #tpu.memory_space<semaphore_mem>>) src(%dma_wait3A_274 : memref<1000000x16xf32, #tpu.memory_space<hbm>>) dst(%dma_wait3A_269 : memref<128x16xf32, #tpu.memory_space<vmem>>)
    %dma_wait3A_275 = arith.constant 768 : i32
    %dma_wait3A_276 = arith.constant 0 : i32
    %dma_wait3A_277 = tpu.memref_slice %arg10[%dma_wait3A_275, %dma_wait3A_276] : memref<2560x16xf32, #tpu.memory_space<vmem>> -> memref<128x16xf32, #tpu.memory_space<vmem>>
    %dma_wait3A_278 = arith.constant 768 : i32
    %dma_wait3A_279 = tpu.memref_slice %arg8[%dma_wait3A_278] : memref<2560xi32, #tpu.memory_space<vmem>> -> memref<128xi32, #tpu.memory_space<vmem>>
    %dma_wait3A_280 = arith.constant 0 : i32
    %dma_wait3A_281 = arith.constant 0 : i32
    %dma_wait3A_282 = tpu.memref_slice %arg5[%dma_wait3A_280, %dma_wait3A_281] : memref<1000000x16xf32, #tpu.memory_space<hbm>> -> memref<1000000x16xf32, #tpu.memory_space<hbm>>
    tpu.wait_indirect_dma semaphore(%arg12 : memref<!tpu.dma_semaphore, #tpu.memory_space<semaphore_mem>>) src(%dma_wait3A_282 : memref<1000000x16xf32, #tpu.memory_space<hbm>>) dst(%dma_wait3A_277 : memref<128x16xf32, #tpu.memory_space<vmem>>)
    %dma_wait3A_283 = arith.constant 896 : i32
    %dma_wait3A_284 = arith.constant 0 : i32
    %dma_wait3A_285 = tpu.memref_slice %arg10[%dma_wait3A_283, %dma_wait3A_284] : memref<2560x16xf32, #tpu.memory_space<vmem>> -> memref<128x16xf32, #tpu.memory_space<vmem>>
    %dma_wait3A_286 = arith.constant 896 : i32
    %dma_wait3A_287 = tpu.memref_slice %arg8[%dma_wait3A_286] : memref<2560xi32, #tpu.memory_space<vmem>> -> memref<128xi32, #tpu.memory_space<vmem>>
    %dma_wait3A_288 = arith.constant 0 : i32
    %dma_wait3A_289 = arith.constant 0 : i32
    %dma_wait3A_290 = tpu.memref_slice %arg5[%dma_wait3A_288, %dma_wait3A_289] : memref<1000000x16xf32, #tpu.memory_space<hbm>> -> memref<1000000x16xf32, #tpu.memory_space<hbm>>
    tpu.wait_indirect_dma semaphore(%arg12 : memref<!tpu.dma_semaphore, #tpu.memory_space<semaphore_mem>>) src(%dma_wait3A_290 : memref<1000000x16xf32, #tpu.memory_space<hbm>>) dst(%dma_wait3A_285 : memref<128x16xf32, #tpu.memory_space<vmem>>)
    %dma_wait3A_291 = arith.constant 1024 : i32
    %dma_wait3A_292 = arith.constant 0 : i32
    %dma_wait3A_293 = tpu.memref_slice %arg10[%dma_wait3A_291, %dma_wait3A_292] : memref<2560x16xf32, #tpu.memory_space<vmem>> -> memref<128x16xf32, #tpu.memory_space<vmem>>
    %dma_wait3A_294 = arith.constant 1024 : i32
    %dma_wait3A_295 = tpu.memref_slice %arg8[%dma_wait3A_294] : memref<2560xi32, #tpu.memory_space<vmem>> -> memref<128xi32, #tpu.memory_space<vmem>>
    %dma_wait3A_296 = arith.constant 0 : i32
    %dma_wait3A_297 = arith.constant 0 : i32
    %dma_wait3A_298 = tpu.memref_slice %arg5[%dma_wait3A_296, %dma_wait3A_297] : memref<1000000x16xf32, #tpu.memory_space<hbm>> -> memref<1000000x16xf32, #tpu.memory_space<hbm>>
    tpu.wait_indirect_dma semaphore(%arg12 : memref<!tpu.dma_semaphore, #tpu.memory_space<semaphore_mem>>) src(%dma_wait3A_298 : memref<1000000x16xf32, #tpu.memory_space<hbm>>) dst(%dma_wait3A_293 : memref<128x16xf32, #tpu.memory_space<vmem>>)
    %dma_wait3A_299 = arith.constant 1152 : i32
    %dma_wait3A_300 = arith.constant 0 : i32
    %dma_wait3A_301 = tpu.memref_slice %arg10[%dma_wait3A_299, %dma_wait3A_300] : memref<2560x16xf32, #tpu.memory_space<vmem>> -> memref<128x16xf32, #tpu.memory_space<vmem>>
    %dma_wait3A_302 = arith.constant 1152 : i32
    %dma_wait3A_303 = tpu.memref_slice %arg8[%dma_wait3A_302] : memref<2560xi32, #tpu.memory_space<vmem>> -> memref<128xi32, #tpu.memory_space<vmem>>
    %dma_wait3A_304 = arith.constant 0 : i32
    %dma_wait3A_305 = arith.constant 0 : i32
    %dma_wait3A_306 = tpu.memref_slice %arg5[%dma_wait3A_304, %dma_wait3A_305] : memref<1000000x16xf32, #tpu.memory_space<hbm>> -> memref<1000000x16xf32, #tpu.memory_space<hbm>>
    tpu.wait_indirect_dma semaphore(%arg12 : memref<!tpu.dma_semaphore, #tpu.memory_space<semaphore_mem>>) src(%dma_wait3A_306 : memref<1000000x16xf32, #tpu.memory_space<hbm>>) dst(%dma_wait3A_301 : memref<128x16xf32, #tpu.memory_space<vmem>>)
    %dma_wait3A_307 = arith.constant 1280 : i32
    %dma_wait3A_308 = arith.constant 0 : i32
    %dma_wait3A_309 = tpu.memref_slice %arg10[%dma_wait3A_307, %dma_wait3A_308] : memref<2560x16xf32, #tpu.memory_space<vmem>> -> memref<128x16xf32, #tpu.memory_space<vmem>>
    %dma_wait3A_310 = arith.constant 1280 : i32
    %dma_wait3A_311 = tpu.memref_slice %arg8[%dma_wait3A_310] : memref<2560xi32, #tpu.memory_space<vmem>> -> memref<128xi32, #tpu.memory_space<vmem>>
    %dma_wait3A_312 = arith.constant 0 : i32
    %dma_wait3A_313 = arith.constant 0 : i32
    %dma_wait3A_314 = tpu.memref_slice %arg5[%dma_wait3A_312, %dma_wait3A_313] : memref<1000000x16xf32, #tpu.memory_space<hbm>> -> memref<1000000x16xf32, #tpu.memory_space<hbm>>
    tpu.wait_indirect_dma semaphore(%arg12 : memref<!tpu.dma_semaphore, #tpu.memory_space<semaphore_mem>>) src(%dma_wait3A_314 : memref<1000000x16xf32, #tpu.memory_space<hbm>>) dst(%dma_wait3A_309 : memref<128x16xf32, #tpu.memory_space<vmem>>)
    %dma_wait3A_315 = arith.constant 1408 : i32
    %dma_wait3A_316 = arith.constant 0 : i32
    %dma_wait3A_317 = tpu.memref_slice %arg10[%dma_wait3A_315, %dma_wait3A_316] : memref<2560x16xf32, #tpu.memory_space<vmem>> -> memref<128x16xf32, #tpu.memory_space<vmem>>
    %dma_wait3A_318 = arith.constant 1408 : i32
    %dma_wait3A_319 = tpu.memref_slice %arg8[%dma_wait3A_318] : memref<2560xi32, #tpu.memory_space<vmem>> -> memref<128xi32, #tpu.memory_space<vmem>>
    %dma_wait3A_320 = arith.constant 0 : i32
    %dma_wait3A_321 = arith.constant 0 : i32
    %dma_wait3A_322 = tpu.memref_slice %arg5[%dma_wait3A_320, %dma_wait3A_321] : memref<1000000x16xf32, #tpu.memory_space<hbm>> -> memref<1000000x16xf32, #tpu.memory_space<hbm>>
    tpu.wait_indirect_dma semaphore(%arg12 : memref<!tpu.dma_semaphore, #tpu.memory_space<semaphore_mem>>) src(%dma_wait3A_322 : memref<1000000x16xf32, #tpu.memory_space<hbm>>) dst(%dma_wait3A_317 : memref<128x16xf32, #tpu.memory_space<vmem>>)
    %dma_wait3A_323 = arith.constant 1536 : i32
    %dma_wait3A_324 = arith.constant 0 : i32
    %dma_wait3A_325 = tpu.memref_slice %arg10[%dma_wait3A_323, %dma_wait3A_324] : memref<2560x16xf32, #tpu.memory_space<vmem>> -> memref<128x16xf32, #tpu.memory_space<vmem>>
    %dma_wait3A_326 = arith.constant 1536 : i32
    %dma_wait3A_327 = tpu.memref_slice %arg8[%dma_wait3A_326] : memref<2560xi32, #tpu.memory_space<vmem>> -> memref<128xi32, #tpu.memory_space<vmem>>
    %dma_wait3A_328 = arith.constant 0 : i32
    %dma_wait3A_329 = arith.constant 0 : i32
    %dma_wait3A_330 = tpu.memref_slice %arg5[%dma_wait3A_328, %dma_wait3A_329] : memref<1000000x16xf32, #tpu.memory_space<hbm>> -> memref<1000000x16xf32, #tpu.memory_space<hbm>>
    tpu.wait_indirect_dma semaphore(%arg12 : memref<!tpu.dma_semaphore, #tpu.memory_space<semaphore_mem>>) src(%dma_wait3A_330 : memref<1000000x16xf32, #tpu.memory_space<hbm>>) dst(%dma_wait3A_325 : memref<128x16xf32, #tpu.memory_space<vmem>>)
    %dma_wait3A_331 = arith.constant 1664 : i32
    %dma_wait3A_332 = arith.constant 0 : i32
    %dma_wait3A_333 = tpu.memref_slice %arg10[%dma_wait3A_331, %dma_wait3A_332] : memref<2560x16xf32, #tpu.memory_space<vmem>> -> memref<128x16xf32, #tpu.memory_space<vmem>>
    %dma_wait3A_334 = arith.constant 1664 : i32
    %dma_wait3A_335 = tpu.memref_slice %arg8[%dma_wait3A_334] : memref<2560xi32, #tpu.memory_space<vmem>> -> memref<128xi32, #tpu.memory_space<vmem>>
    %dma_wait3A_336 = arith.constant 0 : i32
    %dma_wait3A_337 = arith.constant 0 : i32
    %dma_wait3A_338 = tpu.memref_slice %arg5[%dma_wait3A_336, %dma_wait3A_337] : memref<1000000x16xf32, #tpu.memory_space<hbm>> -> memref<1000000x16xf32, #tpu.memory_space<hbm>>
    tpu.wait_indirect_dma semaphore(%arg12 : memref<!tpu.dma_semaphore, #tpu.memory_space<semaphore_mem>>) src(%dma_wait3A_338 : memref<1000000x16xf32, #tpu.memory_space<hbm>>) dst(%dma_wait3A_333 : memref<128x16xf32, #tpu.memory_space<vmem>>)
    %dma_wait3A_339 = arith.constant 1792 : i32
    %dma_wait3A_340 = arith.constant 0 : i32
    %dma_wait3A_341 = tpu.memref_slice %arg10[%dma_wait3A_339, %dma_wait3A_340] : memref<2560x16xf32, #tpu.memory_space<vmem>> -> memref<128x16xf32, #tpu.memory_space<vmem>>
    %dma_wait3A_342 = arith.constant 1792 : i32
    %dma_wait3A_343 = tpu.memref_slice %arg8[%dma_wait3A_342] : memref<2560xi32, #tpu.memory_space<vmem>> -> memref<128xi32, #tpu.memory_space<vmem>>
    %dma_wait3A_344 = arith.constant 0 : i32
    %dma_wait3A_345 = arith.constant 0 : i32
    %dma_wait3A_346 = tpu.memref_slice %arg5[%dma_wait3A_344, %dma_wait3A_345] : memref<1000000x16xf32, #tpu.memory_space<hbm>> -> memref<1000000x16xf32, #tpu.memory_space<hbm>>
    tpu.wait_indirect_dma semaphore(%arg12 : memref<!tpu.dma_semaphore, #tpu.memory_space<semaphore_mem>>) src(%dma_wait3A_346 : memref<1000000x16xf32, #tpu.memory_space<hbm>>) dst(%dma_wait3A_341 : memref<128x16xf32, #tpu.memory_space<vmem>>)
    %dma_wait3A_347 = arith.constant 1920 : i32
    %dma_wait3A_348 = arith.constant 0 : i32
    %dma_wait3A_349 = tpu.memref_slice %arg10[%dma_wait3A_347, %dma_wait3A_348] : memref<2560x16xf32, #tpu.memory_space<vmem>> -> memref<128x16xf32, #tpu.memory_space<vmem>>
    %dma_wait3A_350 = arith.constant 1920 : i32
    %dma_wait3A_351 = tpu.memref_slice %arg8[%dma_wait3A_350] : memref<2560xi32, #tpu.memory_space<vmem>> -> memref<128xi32, #tpu.memory_space<vmem>>
    %dma_wait3A_352 = arith.constant 0 : i32
    %dma_wait3A_353 = arith.constant 0 : i32
    %dma_wait3A_354 = tpu.memref_slice %arg5[%dma_wait3A_352, %dma_wait3A_353] : memref<1000000x16xf32, #tpu.memory_space<hbm>> -> memref<1000000x16xf32, #tpu.memory_space<hbm>>
    tpu.wait_indirect_dma semaphore(%arg12 : memref<!tpu.dma_semaphore, #tpu.memory_space<semaphore_mem>>) src(%dma_wait3A_354 : memref<1000000x16xf32, #tpu.memory_space<hbm>>) dst(%dma_wait3A_349 : memref<128x16xf32, #tpu.memory_space<vmem>>)
    %dma_wait3A_355 = arith.constant 2048 : i32
    %dma_wait3A_356 = arith.constant 0 : i32
    %dma_wait3A_357 = tpu.memref_slice %arg10[%dma_wait3A_355, %dma_wait3A_356] : memref<2560x16xf32, #tpu.memory_space<vmem>> -> memref<128x16xf32, #tpu.memory_space<vmem>>
    %dma_wait3A_358 = arith.constant 2048 : i32
    %dma_wait3A_359 = tpu.memref_slice %arg8[%dma_wait3A_358] : memref<2560xi32, #tpu.memory_space<vmem>> -> memref<128xi32, #tpu.memory_space<vmem>>
    %dma_wait3A_360 = arith.constant 0 : i32
    %dma_wait3A_361 = arith.constant 0 : i32
    %dma_wait3A_362 = tpu.memref_slice %arg5[%dma_wait3A_360, %dma_wait3A_361] : memref<1000000x16xf32, #tpu.memory_space<hbm>> -> memref<1000000x16xf32, #tpu.memory_space<hbm>>
    tpu.wait_indirect_dma semaphore(%arg12 : memref<!tpu.dma_semaphore, #tpu.memory_space<semaphore_mem>>) src(%dma_wait3A_362 : memref<1000000x16xf32, #tpu.memory_space<hbm>>) dst(%dma_wait3A_357 : memref<128x16xf32, #tpu.memory_space<vmem>>)
    %dma_wait3A_363 = arith.constant 2176 : i32
    %dma_wait3A_364 = arith.constant 0 : i32
    %dma_wait3A_365 = tpu.memref_slice %arg10[%dma_wait3A_363, %dma_wait3A_364] : memref<2560x16xf32, #tpu.memory_space<vmem>> -> memref<128x16xf32, #tpu.memory_space<vmem>>
    %dma_wait3A_366 = arith.constant 2176 : i32
    %dma_wait3A_367 = tpu.memref_slice %arg8[%dma_wait3A_366] : memref<2560xi32, #tpu.memory_space<vmem>> -> memref<128xi32, #tpu.memory_space<vmem>>
    %dma_wait3A_368 = arith.constant 0 : i32
    %dma_wait3A_369 = arith.constant 0 : i32
    %dma_wait3A_370 = tpu.memref_slice %arg5[%dma_wait3A_368, %dma_wait3A_369] : memref<1000000x16xf32, #tpu.memory_space<hbm>> -> memref<1000000x16xf32, #tpu.memory_space<hbm>>
    tpu.wait_indirect_dma semaphore(%arg12 : memref<!tpu.dma_semaphore, #tpu.memory_space<semaphore_mem>>) src(%dma_wait3A_370 : memref<1000000x16xf32, #tpu.memory_space<hbm>>) dst(%dma_wait3A_365 : memref<128x16xf32, #tpu.memory_space<vmem>>)
    %dma_wait3A_371 = arith.constant 2304 : i32
    %dma_wait3A_372 = arith.constant 0 : i32
    %dma_wait3A_373 = tpu.memref_slice %arg10[%dma_wait3A_371, %dma_wait3A_372] : memref<2560x16xf32, #tpu.memory_space<vmem>> -> memref<128x16xf32, #tpu.memory_space<vmem>>
    %dma_wait3A_374 = arith.constant 2304 : i32
    %dma_wait3A_375 = tpu.memref_slice %arg8[%dma_wait3A_374] : memref<2560xi32, #tpu.memory_space<vmem>> -> memref<128xi32, #tpu.memory_space<vmem>>
    %dma_wait3A_376 = arith.constant 0 : i32
    %dma_wait3A_377 = arith.constant 0 : i32
    %dma_wait3A_378 = tpu.memref_slice %arg5[%dma_wait3A_376, %dma_wait3A_377] : memref<1000000x16xf32, #tpu.memory_space<hbm>> -> memref<1000000x16xf32, #tpu.memory_space<hbm>>
    tpu.wait_indirect_dma semaphore(%arg12 : memref<!tpu.dma_semaphore, #tpu.memory_space<semaphore_mem>>) src(%dma_wait3A_378 : memref<1000000x16xf32, #tpu.memory_space<hbm>>) dst(%dma_wait3A_373 : memref<128x16xf32, #tpu.memory_space<vmem>>)
    %dma_wait3A_379 = arith.constant 2432 : i32
    %dma_wait3A_380 = arith.constant 0 : i32
    %dma_wait3A_381 = tpu.memref_slice %arg10[%dma_wait3A_379, %dma_wait3A_380] : memref<2560x16xf32, #tpu.memory_space<vmem>> -> memref<128x16xf32, #tpu.memory_space<vmem>>
    %dma_wait3A_382 = arith.constant 2432 : i32
    %dma_wait3A_383 = tpu.memref_slice %arg8[%dma_wait3A_382] : memref<2560xi32, #tpu.memory_space<vmem>> -> memref<128xi32, #tpu.memory_space<vmem>>
    %dma_wait3A_384 = arith.constant 0 : i32
    %dma_wait3A_385 = arith.constant 0 : i32
    %dma_wait3A_386 = tpu.memref_slice %arg5[%dma_wait3A_384, %dma_wait3A_385] : memref<1000000x16xf32, #tpu.memory_space<hbm>> -> memref<1000000x16xf32, #tpu.memory_space<hbm>>
    tpu.wait_indirect_dma semaphore(%arg12 : memref<!tpu.dma_semaphore, #tpu.memory_space<semaphore_mem>>) src(%dma_wait3A_386 : memref<1000000x16xf32, #tpu.memory_space<hbm>>) dst(%dma_wait3A_381 : memref<128x16xf32, #tpu.memory_space<vmem>>)
    %scan3A = arith.constant 0 : i32
    %scan3A_387 = arith.constant 0 : i32
    %scan3A_388 = arith.constant 32 : i32
    %scan3A_389 = arith.addi %scan3A_387, %scan3A_388 : i32
    %scan3A_390 = arith.constant 1 : i32
    scf.for %scan3A_392 = %scan3A_387 to %scan3A_389 step %scan3A_390  : i32 {
      %mul3A_393 = arith.constant 16 : i32
      %mul3A_394 = arith.muli %scan3A_392, %mul3A_393 : i32
      %iota3A = tpu.iota {dimensions = array<i32: 0>} : vector<16xi32>
      %add3A_395 = vector.broadcast %mul3A_394 : i32 to vector<16xi32>
      %add3A_396 = arith.addi %add3A_395, %iota3A : vector<16xi32>
      %broadcast_in_dim3A = arith.constant 0 : i32
      %broadcast_in_dim3A_397 = vector.broadcast %broadcast_in_dim3A : i32 to vector<16xi32>
      %gather3A = tpu.vector_load_idx %arg9[%add3A_396, %broadcast_in_dim3A_397] : memref<512x16xf32, #tpu.memory_space<vmem>>[vector<16xi32>, vector<16xi32>], vector<16xf32>,
      %broadcast_in_dim3A_398 = arith.constant 1 : i32
      %broadcast_in_dim3A_399 = vector.broadcast %broadcast_in_dim3A_398 : i32 to vector<16xi32>
      %gather3A_400 = tpu.vector_load_idx %arg9[%add3A_396, %broadcast_in_dim3A_399] : memref<512x16xf32, #tpu.memory_space<vmem>>[vector<16xi32>, vector<16xi32>], vector<16xf32>,
      %broadcast_in_dim3A_401 = arith.constant 2 : i32
      %broadcast_in_dim3A_402 = vector.broadcast %broadcast_in_dim3A_401 : i32 to vector<16xi32>
      %gather3A_403 = tpu.vector_load_idx %arg9[%add3A_396, %broadcast_in_dim3A_402] : memref<512x16xf32, #tpu.memory_space<vmem>>[vector<16xi32>, vector<16xi32>], vector<16xf32>,
      %broadcast_in_dim3A_404 = arith.constant 3 : i32
      %broadcast_in_dim3A_405 = vector.broadcast %broadcast_in_dim3A_404 : i32 to vector<16xi32>
      %gather3A_406 = tpu.vector_load_idx %arg9[%add3A_396, %broadcast_in_dim3A_405] : memref<512x16xf32, #tpu.memory_space<vmem>>[vector<16xi32>, vector<16xi32>], vector<16xf32>,
      %broadcast_in_dim3A_407 = arith.constant 4 : i32
      %broadcast_in_dim3A_408 = vector.broadcast %broadcast_in_dim3A_407 : i32 to vector<16xi32>
      %gather3A_409 = tpu.vector_load_idx %arg9[%add3A_396, %broadcast_in_dim3A_408] : memref<512x16xf32, #tpu.memory_space<vmem>>[vector<16xi32>, vector<16xi32>], vector<16xf32>,
      %broadcast_in_dim3A_410 = arith.constant 5 : i32
      %broadcast_in_dim3A_411 = vector.broadcast %broadcast_in_dim3A_410 : i32 to vector<16xi32>
      %gather3A_412 = tpu.vector_load_idx %arg9[%add3A_396, %broadcast_in_dim3A_411] : memref<512x16xf32, #tpu.memory_space<vmem>>[vector<16xi32>, vector<16xi32>], vector<16xf32>,
      %broadcast_in_dim3A_413 = arith.constant 6 : i32
      %broadcast_in_dim3A_414 = vector.broadcast %broadcast_in_dim3A_413 : i32 to vector<16xi32>
      %gather3A_415 = tpu.vector_load_idx %arg9[%add3A_396, %broadcast_in_dim3A_414] : memref<512x16xf32, #tpu.memory_space<vmem>>[vector<16xi32>, vector<16xi32>], vector<16xf32>,
      %broadcast_in_dim3A_416 = arith.constant 7 : i32
      %broadcast_in_dim3A_417 = vector.broadcast %broadcast_in_dim3A_416 : i32 to vector<16xi32>
      %gather3A_418 = tpu.vector_load_idx %arg9[%add3A_396, %broadcast_in_dim3A_417] : memref<512x16xf32, #tpu.memory_space<vmem>>[vector<16xi32>, vector<16xi32>], vector<16xf32>,
      %broadcast_in_dim3A_419 = arith.constant 8 : i32
      %broadcast_in_dim3A_420 = vector.broadcast %broadcast_in_dim3A_419 : i32 to vector<16xi32>
      %gather3A_421 = tpu.vector_load_idx %arg9[%add3A_396, %broadcast_in_dim3A_420] : memref<512x16xf32, #tpu.memory_space<vmem>>[vector<16xi32>, vector<16xi32>], vector<16xf32>,
      %broadcast_in_dim3A_422 = arith.constant 9 : i32
      %broadcast_in_dim3A_423 = vector.broadcast %broadcast_in_dim3A_422 : i32 to vector<16xi32>
      %gather3A_424 = tpu.vector_load_idx %arg9[%add3A_396, %broadcast_in_dim3A_423] : memref<512x16xf32, #tpu.memory_space<vmem>>[vector<16xi32>, vector<16xi32>], vector<16xf32>,
      %broadcast_in_dim3A_425 = arith.constant 10 : i32
      %broadcast_in_dim3A_426 = vector.broadcast %broadcast_in_dim3A_425 : i32 to vector<16xi32>
      %gather3A_427 = tpu.vector_load_idx %arg9[%add3A_396, %broadcast_in_dim3A_426] : memref<512x16xf32, #tpu.memory_space<vmem>>[vector<16xi32>, vector<16xi32>], vector<16xf32>,
      %broadcast_in_dim3A_428 = arith.constant 11 : i32
      %broadcast_in_dim3A_429 = vector.broadcast %broadcast_in_dim3A_428 : i32 to vector<16xi32>
      %gather3A_430 = tpu.vector_load_idx %arg9[%add3A_396, %broadcast_in_dim3A_429] : memref<512x16xf32, #tpu.memory_space<vmem>>[vector<16xi32>, vector<16xi32>], vector<16xf32>,
      %broadcast_in_dim3A_431 = arith.constant 12 : i32
      %broadcast_in_dim3A_432 = vector.broadcast %broadcast_in_dim3A_431 : i32 to vector<16xi32>
      %gather3A_433 = tpu.vector_load_idx %arg9[%add3A_396, %broadcast_in_dim3A_432] : memref<512x16xf32, #tpu.memory_space<vmem>>[vector<16xi32>, vector<16xi32>], vector<16xf32>,
      %broadcast_in_dim3A_434 = arith.constant 13 : i32
      %broadcast_in_dim3A_435 = vector.broadcast %broadcast_in_dim3A_434 : i32 to vector<16xi32>
      %gather3A_436 = tpu.vector_load_idx %arg9[%add3A_396, %broadcast_in_dim3A_435] : memref<512x16xf32, #tpu.memory_space<vmem>>[vector<16xi32>, vector<16xi32>], vector<16xf32>,
      %broadcast_in_dim3A_437 = arith.constant 14 : i32
      %broadcast_in_dim3A_438 = vector.broadcast %broadcast_in_dim3A_437 : i32 to vector<16xi32>
      %gather3A_439 = tpu.vector_load_idx %arg9[%add3A_396, %broadcast_in_dim3A_438] : memref<512x16xf32, #tpu.memory_space<vmem>>[vector<16xi32>, vector<16xi32>], vector<16xf32>,
      %broadcast_in_dim3A_440 = arith.constant 15 : i32
      %broadcast_in_dim3A_441 = vector.broadcast %broadcast_in_dim3A_440 : i32 to vector<16xi32>
      %gather3A_442 = tpu.vector_load_idx %arg9[%add3A_396, %broadcast_in_dim3A_441] : memref<512x16xf32, #tpu.memory_space<vmem>>[vector<16xi32>, vector<16xi32>], vector<16xf32>,
      %mul3A_443 = arith.constant 5 : i32
      %mul3A_444 = vector.broadcast %mul3A_443 : i32 to vector<16xi32>
      %mul3A_445 = arith.muli %add3A_396, %mul3A_444 : vector<16xi32>
      %add3A_446 = arith.constant 0 : i32
      %add3A_447 = vector.broadcast %add3A_446 : i32 to vector<16xi32>
      %add3A_448 = arith.addi %mul3A_445, %add3A_447 : vector<16xi32>
      %broadcast_in_dim3A_449 = arith.constant 0 : i32
      %broadcast_in_dim3A_450 = vector.broadcast %broadcast_in_dim3A_449 : i32 to vector<16xi32>
      %gather3A_451 = tpu.vector_load_idx %arg10[%add3A_448, %broadcast_in_dim3A_450] : memref<2560x16xf32, #tpu.memory_space<vmem>>[vector<16xi32>, vector<16xi32>], vector<16xf32>,
      %mul3A_452 = arith.mulf %gather3A, %gather3A_451 : vector<16xf32>
      %broadcast_in_dim3A_453 = arith.constant 1 : i32
      %broadcast_in_dim3A_454 = vector.broadcast %broadcast_in_dim3A_453 : i32 to vector<16xi32>
      %gather3A_455 = tpu.vector_load_idx %arg10[%add3A_448, %broadcast_in_dim3A_454] : memref<2560x16xf32, #tpu.memory_space<vmem>>[vector<16xi32>, vector<16xi32>], vector<16xf32>,
      %mul3A_456 = arith.mulf %gather3A_400, %gather3A_455 : vector<16xf32>
      %add3A_457 = arith.addf %mul3A_452, %mul3A_456 : vector<16xf32>
      %broadcast_in_dim3A_458 = arith.constant 2 : i32
      %broadcast_in_dim3A_459 = vector.broadcast %broadcast_in_dim3A_458 : i32 to vector<16xi32>
      %gather3A_460 = tpu.vector_load_idx %arg10[%add3A_448, %broadcast_in_dim3A_459] : memref<2560x16xf32, #tpu.memory_space<vmem>>[vector<16xi32>, vector<16xi32>], vector<16xf32>,
      %mul3A_461 = arith.mulf %gather3A_403, %gather3A_460 : vector<16xf32>
      %add3A_462 = arith.addf %add3A_457, %mul3A_461 : vector<16xf32>
      %broadcast_in_dim3A_463 = arith.constant 3 : i32
      %broadcast_in_dim3A_464 = vector.broadcast %broadcast_in_dim3A_463 : i32 to vector<16xi32>
      %gather3A_465 = tpu.vector_load_idx %arg10[%add3A_448, %broadcast_in_dim3A_464] : memref<2560x16xf32, #tpu.memory_space<vmem>>[vector<16xi32>, vector<16xi32>], vector<16xf32>,
      %mul3A_466 = arith.mulf %gather3A_406, %gather3A_465 : vector<16xf32>
      %add3A_467 = arith.addf %add3A_462, %mul3A_466 : vector<16xf32>
      %broadcast_in_dim3A_468 = arith.constant 4 : i32
      %broadcast_in_dim3A_469 = vector.broadcast %broadcast_in_dim3A_468 : i32 to vector<16xi32>
      %gather3A_470 = tpu.vector_load_idx %arg10[%add3A_448, %broadcast_in_dim3A_469] : memref<2560x16xf32, #tpu.memory_space<vmem>>[vector<16xi32>, vector<16xi32>], vector<16xf32>,
      %mul3A_471 = arith.mulf %gather3A_409, %gather3A_470 : vector<16xf32>
      %add3A_472 = arith.addf %add3A_467, %mul3A_471 : vector<16xf32>
      %broadcast_in_dim3A_473 = arith.constant 5 : i32
      %broadcast_in_dim3A_474 = vector.broadcast %broadcast_in_dim3A_473 : i32 to vector<16xi32>
      %gather3A_475 = tpu.vector_load_idx %arg10[%add3A_448, %broadcast_in_dim3A_474] : memref<2560x16xf32, #tpu.memory_space<vmem>>[vector<16xi32>, vector<16xi32>], vector<16xf32>,
      %mul3A_476 = arith.mulf %gather3A_412, %gather3A_475 : vector<16xf32>
      %add3A_477 = arith.addf %add3A_472, %mul3A_476 : vector<16xf32>
      %broadcast_in_dim3A_478 = arith.constant 6 : i32
      %broadcast_in_dim3A_479 = vector.broadcast %broadcast_in_dim3A_478 : i32 to vector<16xi32>
      %gather3A_480 = tpu.vector_load_idx %arg10[%add3A_448, %broadcast_in_dim3A_479] : memref<2560x16xf32, #tpu.memory_space<vmem>>[vector<16xi32>, vector<16xi32>], vector<16xf32>,
      %mul3A_481 = arith.mulf %gather3A_415, %gather3A_480 : vector<16xf32>
      %add3A_482 = arith.addf %add3A_477, %mul3A_481 : vector<16xf32>
      %broadcast_in_dim3A_483 = arith.constant 7 : i32
      %broadcast_in_dim3A_484 = vector.broadcast %broadcast_in_dim3A_483 : i32 to vector<16xi32>
      %gather3A_485 = tpu.vector_load_idx %arg10[%add3A_448, %broadcast_in_dim3A_484] : memref<2560x16xf32, #tpu.memory_space<vmem>>[vector<16xi32>, vector<16xi32>], vector<16xf32>,
      %mul3A_486 = arith.mulf %gather3A_418, %gather3A_485 : vector<16xf32>
      %add3A_487 = arith.addf %add3A_482, %mul3A_486 : vector<16xf32>
      %broadcast_in_dim3A_488 = arith.constant 8 : i32
      %broadcast_in_dim3A_489 = vector.broadcast %broadcast_in_dim3A_488 : i32 to vector<16xi32>
      %gather3A_490 = tpu.vector_load_idx %arg10[%add3A_448, %broadcast_in_dim3A_489] : memref<2560x16xf32, #tpu.memory_space<vmem>>[vector<16xi32>, vector<16xi32>], vector<16xf32>,
      %mul3A_491 = arith.mulf %gather3A_421, %gather3A_490 : vector<16xf32>
      %add3A_492 = arith.addf %add3A_487, %mul3A_491 : vector<16xf32>
      %broadcast_in_dim3A_493 = arith.constant 9 : i32
      %broadcast_in_dim3A_494 = vector.broadcast %broadcast_in_dim3A_493 : i32 to vector<16xi32>
      %gather3A_495 = tpu.vector_load_idx %arg10[%add3A_448, %broadcast_in_dim3A_494] : memref<2560x16xf32, #tpu.memory_space<vmem>>[vector<16xi32>, vector<16xi32>], vector<16xf32>,
      %mul3A_496 = arith.mulf %gather3A_424, %gather3A_495 : vector<16xf32>
      %add3A_497 = arith.addf %add3A_492, %mul3A_496 : vector<16xf32>
      %broadcast_in_dim3A_498 = arith.constant 10 : i32
      %broadcast_in_dim3A_499 = vector.broadcast %broadcast_in_dim3A_498 : i32 to vector<16xi32>
      %gather3A_500 = tpu.vector_load_idx %arg10[%add3A_448, %broadcast_in_dim3A_499] : memref<2560x16xf32, #tpu.memory_space<vmem>>[vector<16xi32>, vector<16xi32>], vector<16xf32>,
      %mul3A_501 = arith.mulf %gather3A_427, %gather3A_500 : vector<16xf32>
      %add3A_502 = arith.addf %add3A_497, %mul3A_501 : vector<16xf32>
      %broadcast_in_dim3A_503 = arith.constant 11 : i32
      %broadcast_in_dim3A_504 = vector.broadcast %broadcast_in_dim3A_503 : i32 to vector<16xi32>
      %gather3A_505 = tpu.vector_load_idx %arg10[%add3A_448, %broadcast_in_dim3A_504] : memref<2560x16xf32, #tpu.memory_space<vmem>>[vector<16xi32>, vector<16xi32>], vector<16xf32>,
      %mul3A_506 = arith.mulf %gather3A_430, %gather3A_505 : vector<16xf32>
      %add3A_507 = arith.addf %add3A_502, %mul3A_506 : vector<16xf32>
      %broadcast_in_dim3A_508 = arith.constant 12 : i32
      %broadcast_in_dim3A_509 = vector.broadcast %broadcast_in_dim3A_508 : i32 to vector<16xi32>
      %gather3A_510 = tpu.vector_load_idx %arg10[%add3A_448, %broadcast_in_dim3A_509] : memref<2560x16xf32, #tpu.memory_space<vmem>>[vector<16xi32>, vector<16xi32>], vector<16xf32>,
      %mul3A_511 = arith.mulf %gather3A_433, %gather3A_510 : vector<16xf32>
      %add3A_512 = arith.addf %add3A_507, %mul3A_511 : vector<16xf32>
      %broadcast_in_dim3A_513 = arith.constant 13 : i32
      %broadcast_in_dim3A_514 = vector.broadcast %broadcast_in_dim3A_513 : i32 to vector<16xi32>
      %gather3A_515 = tpu.vector_load_idx %arg10[%add3A_448, %broadcast_in_dim3A_514] : memref<2560x16xf32, #tpu.memory_space<vmem>>[vector<16xi32>, vector<16xi32>], vector<16xf32>,
      %mul3A_516 = arith.mulf %gather3A_436, %gather3A_515 : vector<16xf32>
      %add3A_517 = arith.addf %add3A_512, %mul3A_516 : vector<16xf32>
      %broadcast_in_dim3A_518 = arith.constant 14 : i32
      %broadcast_in_dim3A_519 = vector.broadcast %broadcast_in_dim3A_518 : i32 to vector<16xi32>
      %gather3A_520 = tpu.vector_load_idx %arg10[%add3A_448, %broadcast_in_dim3A_519] : memref<2560x16xf32, #tpu.memory_space<vmem>>[vector<16xi32>, vector<16xi32>], vector<16xf32>,
      %mul3A_521 = arith.mulf %gather3A_439, %gather3A_520 : vector<16xf32>
      %add3A_522 = arith.addf %add3A_517, %mul3A_521 : vector<16xf32>
      %broadcast_in_dim3A_523 = arith.constant 15 : i32
      %broadcast_in_dim3A_524 = vector.broadcast %broadcast_in_dim3A_523 : i32 to vector<16xi32>
      %gather3A_525 = tpu.vector_load_idx %arg10[%add3A_448, %broadcast_in_dim3A_524] : memref<2560x16xf32, #tpu.memory_space<vmem>>[vector<16xi32>, vector<16xi32>], vector<16xf32>,
      %mul3A_526 = arith.mulf %gather3A_442, %gather3A_525 : vector<16xf32>
      %add3A_527 = arith.addf %add3A_522, %mul3A_526 : vector<16xf32>
      %broadcast_in_dim3A_528 = arith.constant 0 : i32
      %broadcast_in_dim3A_529 = vector.broadcast %broadcast_in_dim3A_528 : i32 to vector<16xi32>
      tpu.vector_store_idx %arg11[%add3A_396, %broadcast_in_dim3A_529], %add3A_527 : memref<512x5xf32, #tpu.memory_space<vmem>>[vector<16xi32>, vector<16xi32>], vector<16xf32>,
      %add3A_530 = arith.constant 1 : i32
      %add3A_531 = vector.broadcast %add3A_530 : i32 to vector<16xi32>
      %add3A_532 = arith.addi %mul3A_445, %add3A_531 : vector<16xi32>
      %broadcast_in_dim3A_533 = arith.constant 0 : i32
      %broadcast_in_dim3A_534 = vector.broadcast %broadcast_in_dim3A_533 : i32 to vector<16xi32>
      %gather3A_535 = tpu.vector_load_idx %arg10[%add3A_532, %broadcast_in_dim3A_534] : memref<2560x16xf32, #tpu.memory_space<vmem>>[vector<16xi32>, vector<16xi32>], vector<16xf32>,
      %mul3A_536 = arith.mulf %gather3A, %gather3A_535 : vector<16xf32>
      %broadcast_in_dim3A_537 = arith.constant 1 : i32
      %broadcast_in_dim3A_538 = vector.broadcast %broadcast_in_dim3A_537 : i32 to vector<16xi32>
      %gather3A_539 = tpu.vector_load_idx %arg10[%add3A_532, %broadcast_in_dim3A_538] : memref<2560x16xf32, #tpu.memory_space<vmem>>[vector<16xi32>, vector<16xi32>], vector<16xf32>,
      %mul3A_540 = arith.mulf %gather3A_400, %gather3A_539 : vector<16xf32>
      %add3A_541 = arith.addf %mul3A_536, %mul3A_540 : vector<16xf32>
      %broadcast_in_dim3A_542 = arith.constant 2 : i32
      %broadcast_in_dim3A_543 = vector.broadcast %broadcast_in_dim3A_542 : i32 to vector<16xi32>
      %gather3A_544 = tpu.vector_load_idx %arg10[%add3A_532, %broadcast_in_dim3A_543] : memref<2560x16xf32, #tpu.memory_space<vmem>>[vector<16xi32>, vector<16xi32>], vector<16xf32>,
      %mul3A_545 = arith.mulf %gather3A_403, %gather3A_544 : vector<16xf32>
      %add3A_546 = arith.addf %add3A_541, %mul3A_545 : vector<16xf32>
      %broadcast_in_dim3A_547 = arith.constant 3 : i32
      %broadcast_in_dim3A_548 = vector.broadcast %broadcast_in_dim3A_547 : i32 to vector<16xi32>
      %gather3A_549 = tpu.vector_load_idx %arg10[%add3A_532, %broadcast_in_dim3A_548] : memref<2560x16xf32, #tpu.memory_space<vmem>>[vector<16xi32>, vector<16xi32>], vector<16xf32>,
      %mul3A_550 = arith.mulf %gather3A_406, %gather3A_549 : vector<16xf32>
      %add3A_551 = arith.addf %add3A_546, %mul3A_550 : vector<16xf32>
      %broadcast_in_dim3A_552 = arith.constant 4 : i32
      %broadcast_in_dim3A_553 = vector.broadcast %broadcast_in_dim3A_552 : i32 to vector<16xi32>
      %gather3A_554 = tpu.vector_load_idx %arg10[%add3A_532, %broadcast_in_dim3A_553] : memref<2560x16xf32, #tpu.memory_space<vmem>>[vector<16xi32>, vector<16xi32>], vector<16xf32>,
      %mul3A_555 = arith.mulf %gather3A_409, %gather3A_554 : vector<16xf32>
      %add3A_556 = arith.addf %add3A_551, %mul3A_555 : vector<16xf32>
      %broadcast_in_dim3A_557 = arith.constant 5 : i32
      %broadcast_in_dim3A_558 = vector.broadcast %broadcast_in_dim3A_557 : i32 to vector<16xi32>
      %gather3A_559 = tpu.vector_load_idx %arg10[%add3A_532, %broadcast_in_dim3A_558] : memref<2560x16xf32, #tpu.memory_space<vmem>>[vector<16xi32>, vector<16xi32>], vector<16xf32>,
      %mul3A_560 = arith.mulf %gather3A_412, %gather3A_559 : vector<16xf32>
      %add3A_561 = arith.addf %add3A_556, %mul3A_560 : vector<16xf32>
      %broadcast_in_dim3A_562 = arith.constant 6 : i32
      %broadcast_in_dim3A_563 = vector.broadcast %broadcast_in_dim3A_562 : i32 to vector<16xi32>
      %gather3A_564 = tpu.vector_load_idx %arg10[%add3A_532, %broadcast_in_dim3A_563] : memref<2560x16xf32, #tpu.memory_space<vmem>>[vector<16xi32>, vector<16xi32>], vector<16xf32>,
      %mul3A_565 = arith.mulf %gather3A_415, %gather3A_564 : vector<16xf32>
      %add3A_566 = arith.addf %add3A_561, %mul3A_565 : vector<16xf32>
      %broadcast_in_dim3A_567 = arith.constant 7 : i32
      %broadcast_in_dim3A_568 = vector.broadcast %broadcast_in_dim3A_567 : i32 to vector<16xi32>
      %gather3A_569 = tpu.vector_load_idx %arg10[%add3A_532, %broadcast_in_dim3A_568] : memref<2560x16xf32, #tpu.memory_space<vmem>>[vector<16xi32>, vector<16xi32>], vector<16xf32>,
      %mul3A_570 = arith.mulf %gather3A_418, %gather3A_569 : vector<16xf32>
      %add3A_571 = arith.addf %add3A_566, %mul3A_570 : vector<16xf32>
      %broadcast_in_dim3A_572 = arith.constant 8 : i32
      %broadcast_in_dim3A_573 = vector.broadcast %broadcast_in_dim3A_572 : i32 to vector<16xi32>
      %gather3A_574 = tpu.vector_load_idx %arg10[%add3A_532, %broadcast_in_dim3A_573] : memref<2560x16xf32, #tpu.memory_space<vmem>>[vector<16xi32>, vector<16xi32>], vector<16xf32>,
      %mul3A_575 = arith.mulf %gather3A_421, %gather3A_574 : vector<16xf32>
      %add3A_576 = arith.addf %add3A_571, %mul3A_575 : vector<16xf32>
      %broadcast_in_dim3A_577 = arith.constant 9 : i32
      %broadcast_in_dim3A_578 = vector.broadcast %broadcast_in_dim3A_577 : i32 to vector<16xi32>
      %gather3A_579 = tpu.vector_load_idx %arg10[%add3A_532, %broadcast_in_dim3A_578] : memref<2560x16xf32, #tpu.memory_space<vmem>>[vector<16xi32>, vector<16xi32>], vector<16xf32>,
      %mul3A_580 = arith.mulf %gather3A_424, %gather3A_579 : vector<16xf32>
      %add3A_581 = arith.addf %add3A_576, %mul3A_580 : vector<16xf32>
      %broadcast_in_dim3A_582 = arith.constant 10 : i32
      %broadcast_in_dim3A_583 = vector.broadcast %broadcast_in_dim3A_582 : i32 to vector<16xi32>
      %gather3A_584 = tpu.vector_load_idx %arg10[%add3A_532, %broadcast_in_dim3A_583] : memref<2560x16xf32, #tpu.memory_space<vmem>>[vector<16xi32>, vector<16xi32>], vector<16xf32>,
      %mul3A_585 = arith.mulf %gather3A_427, %gather3A_584 : vector<16xf32>
      %add3A_586 = arith.addf %add3A_581, %mul3A_585 : vector<16xf32>
      %broadcast_in_dim3A_587 = arith.constant 11 : i32
      %broadcast_in_dim3A_588 = vector.broadcast %broadcast_in_dim3A_587 : i32 to vector<16xi32>
      %gather3A_589 = tpu.vector_load_idx %arg10[%add3A_532, %broadcast_in_dim3A_588] : memref<2560x16xf32, #tpu.memory_space<vmem>>[vector<16xi32>, vector<16xi32>], vector<16xf32>,
      %mul3A_590 = arith.mulf %gather3A_430, %gather3A_589 : vector<16xf32>
      %add3A_591 = arith.addf %add3A_586, %mul3A_590 : vector<16xf32>
      %broadcast_in_dim3A_592 = arith.constant 12 : i32
      %broadcast_in_dim3A_593 = vector.broadcast %broadcast_in_dim3A_592 : i32 to vector<16xi32>
      %gather3A_594 = tpu.vector_load_idx %arg10[%add3A_532, %broadcast_in_dim3A_593] : memref<2560x16xf32, #tpu.memory_space<vmem>>[vector<16xi32>, vector<16xi32>], vector<16xf32>,
      %mul3A_595 = arith.mulf %gather3A_433, %gather3A_594 : vector<16xf32>
      %add3A_596 = arith.addf %add3A_591, %mul3A_595 : vector<16xf32>
      %broadcast_in_dim3A_597 = arith.constant 13 : i32
      %broadcast_in_dim3A_598 = vector.broadcast %broadcast_in_dim3A_597 : i32 to vector<16xi32>
      %gather3A_599 = tpu.vector_load_idx %arg10[%add3A_532, %broadcast_in_dim3A_598] : memref<2560x16xf32, #tpu.memory_space<vmem>>[vector<16xi32>, vector<16xi32>], vector<16xf32>,
      %mul3A_600 = arith.mulf %gather3A_436, %gather3A_599 : vector<16xf32>
      %add3A_601 = arith.addf %add3A_596, %mul3A_600 : vector<16xf32>
      %broadcast_in_dim3A_602 = arith.constant 14 : i32
      %broadcast_in_dim3A_603 = vector.broadcast %broadcast_in_dim3A_602 : i32 to vector<16xi32>
      %gather3A_604 = tpu.vector_load_idx %arg10[%add3A_532, %broadcast_in_dim3A_603] : memref<2560x16xf32, #tpu.memory_space<vmem>>[vector<16xi32>, vector<16xi32>], vector<16xf32>,
      %mul3A_605 = arith.mulf %gather3A_439, %gather3A_604 : vector<16xf32>
      %add3A_606 = arith.addf %add3A_601, %mul3A_605 : vector<16xf32>
      %broadcast_in_dim3A_607 = arith.constant 15 : i32
      %broadcast_in_dim3A_608 = vector.broadcast %broadcast_in_dim3A_607 : i32 to vector<16xi32>
      %gather3A_609 = tpu.vector_load_idx %arg10[%add3A_532, %broadcast_in_dim3A_608] : memref<2560x16xf32, #tpu.memory_space<vmem>>[vector<16xi32>, vector<16xi32>], vector<16xf32>,
      %mul3A_610 = arith.mulf %gather3A_442, %gather3A_609 : vector<16xf32>
      %add3A_611 = arith.addf %add3A_606, %mul3A_610 : vector<16xf32>
      %broadcast_in_dim3A_612 = arith.constant 1 : i32
      %broadcast_in_dim3A_613 = vector.broadcast %broadcast_in_dim3A_612 : i32 to vector<16xi32>
      tpu.vector_store_idx %arg11[%add3A_396, %broadcast_in_dim3A_613], %add3A_611 : memref<512x5xf32, #tpu.memory_space<vmem>>[vector<16xi32>, vector<16xi32>], vector<16xf32>,
      %add3A_614 = arith.constant 2 : i32
      %add3A_615 = vector.broadcast %add3A_614 : i32 to vector<16xi32>
      %add3A_616 = arith.addi %mul3A_445, %add3A_615 : vector<16xi32>
      %broadcast_in_dim3A_617 = arith.constant 0 : i32
      %broadcast_in_dim3A_618 = vector.broadcast %broadcast_in_dim3A_617 : i32 to vector<16xi32>
      %gather3A_619 = tpu.vector_load_idx %arg10[%add3A_616, %broadcast_in_dim3A_618] : memref<2560x16xf32, #tpu.memory_space<vmem>>[vector<16xi32>, vector<16xi32>], vector<16xf32>,
      %mul3A_620 = arith.mulf %gather3A, %gather3A_619 : vector<16xf32>
      %broadcast_in_dim3A_621 = arith.constant 1 : i32
      %broadcast_in_dim3A_622 = vector.broadcast %broadcast_in_dim3A_621 : i32 to vector<16xi32>
      %gather3A_623 = tpu.vector_load_idx %arg10[%add3A_616, %broadcast_in_dim3A_622] : memref<2560x16xf32, #tpu.memory_space<vmem>>[vector<16xi32>, vector<16xi32>], vector<16xf32>,
      %mul3A_624 = arith.mulf %gather3A_400, %gather3A_623 : vector<16xf32>
      %add3A_625 = arith.addf %mul3A_620, %mul3A_624 : vector<16xf32>
      %broadcast_in_dim3A_626 = arith.constant 2 : i32
      %broadcast_in_dim3A_627 = vector.broadcast %broadcast_in_dim3A_626 : i32 to vector<16xi32>
      %gather3A_628 = tpu.vector_load_idx %arg10[%add3A_616, %broadcast_in_dim3A_627] : memref<2560x16xf32, #tpu.memory_space<vmem>>[vector<16xi32>, vector<16xi32>], vector<16xf32>,
      %mul3A_629 = arith.mulf %gather3A_403, %gather3A_628 : vector<16xf32>
      %add3A_630 = arith.addf %add3A_625, %mul3A_629 : vector<16xf32>
      %broadcast_in_dim3A_631 = arith.constant 3 : i32
      %broadcast_in_dim3A_632 = vector.broadcast %broadcast_in_dim3A_631 : i32 to vector<16xi32>
      %gather3A_633 = tpu.vector_load_idx %arg10[%add3A_616, %broadcast_in_dim3A_632] : memref<2560x16xf32, #tpu.memory_space<vmem>>[vector<16xi32>, vector<16xi32>], vector<16xf32>,
      %mul3A_634 = arith.mulf %gather3A_406, %gather3A_633 : vector<16xf32>
      %add3A_635 = arith.addf %add3A_630, %mul3A_634 : vector<16xf32>
      %broadcast_in_dim3A_636 = arith.constant 4 : i32
      %broadcast_in_dim3A_637 = vector.broadcast %broadcast_in_dim3A_636 : i32 to vector<16xi32>
      %gather3A_638 = tpu.vector_load_idx %arg10[%add3A_616, %broadcast_in_dim3A_637] : memref<2560x16xf32, #tpu.memory_space<vmem>>[vector<16xi32>, vector<16xi32>], vector<16xf32>,
      %mul3A_639 = arith.mulf %gather3A_409, %gather3A_638 : vector<16xf32>
      %add3A_640 = arith.addf %add3A_635, %mul3A_639 : vector<16xf32>
      %broadcast_in_dim3A_641 = arith.constant 5 : i32
      %broadcast_in_dim3A_642 = vector.broadcast %broadcast_in_dim3A_641 : i32 to vector<16xi32>
      %gather3A_643 = tpu.vector_load_idx %arg10[%add3A_616, %broadcast_in_dim3A_642] : memref<2560x16xf32, #tpu.memory_space<vmem>>[vector<16xi32>, vector<16xi32>], vector<16xf32>,
      %mul3A_644 = arith.mulf %gather3A_412, %gather3A_643 : vector<16xf32>
      %add3A_645 = arith.addf %add3A_640, %mul3A_644 : vector<16xf32>
      %broadcast_in_dim3A_646 = arith.constant 6 : i32
      %broadcast_in_dim3A_647 = vector.broadcast %broadcast_in_dim3A_646 : i32 to vector<16xi32>
      %gather3A_648 = tpu.vector_load_idx %arg10[%add3A_616, %broadcast_in_dim3A_647] : memref<2560x16xf32, #tpu.memory_space<vmem>>[vector<16xi32>, vector<16xi32>], vector<16xf32>,
      %mul3A_649 = arith.mulf %gather3A_415, %gather3A_648 : vector<16xf32>
      %add3A_650 = arith.addf %add3A_645, %mul3A_649 : vector<16xf32>
      %broadcast_in_dim3A_651 = arith.constant 7 : i32
      %broadcast_in_dim3A_652 = vector.broadcast %broadcast_in_dim3A_651 : i32 to vector<16xi32>
      %gather3A_653 = tpu.vector_load_idx %arg10[%add3A_616, %broadcast_in_dim3A_652] : memref<2560x16xf32, #tpu.memory_space<vmem>>[vector<16xi32>, vector<16xi32>], vector<16xf32>,
      %mul3A_654 = arith.mulf %gather3A_418, %gather3A_653 : vector<16xf32>
      %add3A_655 = arith.addf %add3A_650, %mul3A_654 : vector<16xf32>
      %broadcast_in_dim3A_656 = arith.constant 8 : i32
      %broadcast_in_dim3A_657 = vector.broadcast %broadcast_in_dim3A_656 : i32 to vector<16xi32>
      %gather3A_658 = tpu.vector_load_idx %arg10[%add3A_616, %broadcast_in_dim3A_657] : memref<2560x16xf32, #tpu.memory_space<vmem>>[vector<16xi32>, vector<16xi32>], vector<16xf32>,
      %mul3A_659 = arith.mulf %gather3A_421, %gather3A_658 : vector<16xf32>
      %add3A_660 = arith.addf %add3A_655, %mul3A_659 : vector<16xf32>
      %broadcast_in_dim3A_661 = arith.constant 9 : i32
      %broadcast_in_dim3A_662 = vector.broadcast %broadcast_in_dim3A_661 : i32 to vector<16xi32>
      %gather3A_663 = tpu.vector_load_idx %arg10[%add3A_616, %broadcast_in_dim3A_662] : memref<2560x16xf32, #tpu.memory_space<vmem>>[vector<16xi32>, vector<16xi32>], vector<16xf32>,
      %mul3A_664 = arith.mulf %gather3A_424, %gather3A_663 : vector<16xf32>
      %add3A_665 = arith.addf %add3A_660, %mul3A_664 : vector<16xf32>
      %broadcast_in_dim3A_666 = arith.constant 10 : i32
      %broadcast_in_dim3A_667 = vector.broadcast %broadcast_in_dim3A_666 : i32 to vector<16xi32>
      %gather3A_668 = tpu.vector_load_idx %arg10[%add3A_616, %broadcast_in_dim3A_667] : memref<2560x16xf32, #tpu.memory_space<vmem>>[vector<16xi32>, vector<16xi32>], vector<16xf32>,
      %mul3A_669 = arith.mulf %gather3A_427, %gather3A_668 : vector<16xf32>
      %add3A_670 = arith.addf %add3A_665, %mul3A_669 : vector<16xf32>
      %broadcast_in_dim3A_671 = arith.constant 11 : i32
      %broadcast_in_dim3A_672 = vector.broadcast %broadcast_in_dim3A_671 : i32 to vector<16xi32>
      %gather3A_673 = tpu.vector_load_idx %arg10[%add3A_616, %broadcast_in_dim3A_672] : memref<2560x16xf32, #tpu.memory_space<vmem>>[vector<16xi32>, vector<16xi32>], vector<16xf32>,
      %mul3A_674 = arith.mulf %gather3A_430, %gather3A_673 : vector<16xf32>
      %add3A_675 = arith.addf %add3A_670, %mul3A_674 : vector<16xf32>
      %broadcast_in_dim3A_676 = arith.constant 12 : i32
      %broadcast_in_dim3A_677 = vector.broadcast %broadcast_in_dim3A_676 : i32 to vector<16xi32>
      %gather3A_678 = tpu.vector_load_idx %arg10[%add3A_616, %broadcast_in_dim3A_677] : memref<2560x16xf32, #tpu.memory_space<vmem>>[vector<16xi32>, vector<16xi32>], vector<16xf32>,
      %mul3A_679 = arith.mulf %gather3A_433, %gather3A_678 : vector<16xf32>
      %add3A_680 = arith.addf %add3A_675, %mul3A_679 : vector<16xf32>
      %broadcast_in_dim3A_681 = arith.constant 13 : i32
      %broadcast_in_dim3A_682 = vector.broadcast %broadcast_in_dim3A_681 : i32 to vector<16xi32>
      %gather3A_683 = tpu.vector_load_idx %arg10[%add3A_616, %broadcast_in_dim3A_682] : memref<2560x16xf32, #tpu.memory_space<vmem>>[vector<16xi32>, vector<16xi32>], vector<16xf32>,
      %mul3A_684 = arith.mulf %gather3A_436, %gather3A_683 : vector<16xf32>
      %add3A_685 = arith.addf %add3A_680, %mul3A_684 : vector<16xf32>
      %broadcast_in_dim3A_686 = arith.constant 14 : i32
      %broadcast_in_dim3A_687 = vector.broadcast %broadcast_in_dim3A_686 : i32 to vector<16xi32>
      %gather3A_688 = tpu.vector_load_idx %arg10[%add3A_616, %broadcast_in_dim3A_687] : memref<2560x16xf32, #tpu.memory_space<vmem>>[vector<16xi32>, vector<16xi32>], vector<16xf32>,
      %mul3A_689 = arith.mulf %gather3A_439, %gather3A_688 : vector<16xf32>
      %add3A_690 = arith.addf %add3A_685, %mul3A_689 : vector<16xf32>
      %broadcast_in_dim3A_691 = arith.constant 15 : i32
      %broadcast_in_dim3A_692 = vector.broadcast %broadcast_in_dim3A_691 : i32 to vector<16xi32>
      %gather3A_693 = tpu.vector_load_idx %arg10[%add3A_616, %broadcast_in_dim3A_692] : memref<2560x16xf32, #tpu.memory_space<vmem>>[vector<16xi32>, vector<16xi32>], vector<16xf32>,
      %mul3A_694 = arith.mulf %gather3A_442, %gather3A_693 : vector<16xf32>
      %add3A_695 = arith.addf %add3A_690, %mul3A_694 : vector<16xf32>
      %broadcast_in_dim3A_696 = arith.constant 2 : i32
      %broadcast_in_dim3A_697 = vector.broadcast %broadcast_in_dim3A_696 : i32 to vector<16xi32>
      tpu.vector_store_idx %arg11[%add3A_396, %broadcast_in_dim3A_697], %add3A_695 : memref<512x5xf32, #tpu.memory_space<vmem>>[vector<16xi32>, vector<16xi32>], vector<16xf32>,
      %add3A_698 = arith.constant 3 : i32
      %add3A_699 = vector.broadcast %add3A_698 : i32 to vector<16xi32>
      %add3A_700 = arith.addi %mul3A_445, %add3A_699 : vector<16xi32>
      %broadcast_in_dim3A_701 = arith.constant 0 : i32
      %broadcast_in_dim3A_702 = vector.broadcast %broadcast_in_dim3A_701 : i32 to vector<16xi32>
      %gather3A_703 = tpu.vector_load_idx %arg10[%add3A_700, %broadcast_in_dim3A_702] : memref<2560x16xf32, #tpu.memory_space<vmem>>[vector<16xi32>, vector<16xi32>], vector<16xf32>,
      %mul3A_704 = arith.mulf %gather3A, %gather3A_703 : vector<16xf32>
      %broadcast_in_dim3A_705 = arith.constant 1 : i32
      %broadcast_in_dim3A_706 = vector.broadcast %broadcast_in_dim3A_705 : i32 to vector<16xi32>
      %gather3A_707 = tpu.vector_load_idx %arg10[%add3A_700, %broadcast_in_dim3A_706] : memref<2560x16xf32, #tpu.memory_space<vmem>>[vector<16xi32>, vector<16xi32>], vector<16xf32>,
      %mul3A_708 = arith.mulf %gather3A_400, %gather3A_707 : vector<16xf32>
      %add3A_709 = arith.addf %mul3A_704, %mul3A_708 : vector<16xf32>
      %broadcast_in_dim3A_710 = arith.constant 2 : i32
      %broadcast_in_dim3A_711 = vector.broadcast %broadcast_in_dim3A_710 : i32 to vector<16xi32>
      %gather3A_712 = tpu.vector_load_idx %arg10[%add3A_700, %broadcast_in_dim3A_711] : memref<2560x16xf32, #tpu.memory_space<vmem>>[vector<16xi32>, vector<16xi32>], vector<16xf32>,
      %mul3A_713 = arith.mulf %gather3A_403, %gather3A_712 : vector<16xf32>
      %add3A_714 = arith.addf %add3A_709, %mul3A_713 : vector<16xf32>
      %broadcast_in_dim3A_715 = arith.constant 3 : i32
      %broadcast_in_dim3A_716 = vector.broadcast %broadcast_in_dim3A_715 : i32 to vector<16xi32>
      %gather3A_717 = tpu.vector_load_idx %arg10[%add3A_700, %broadcast_in_dim3A_716] : memref<2560x16xf32, #tpu.memory_space<vmem>>[vector<16xi32>, vector<16xi32>], vector<16xf32>,
      %mul3A_718 = arith.mulf %gather3A_406, %gather3A_717 : vector<16xf32>
      %add3A_719 = arith.addf %add3A_714, %mul3A_718 : vector<16xf32>
      %broadcast_in_dim3A_720 = arith.constant 4 : i32
      %broadcast_in_dim3A_721 = vector.broadcast %broadcast_in_dim3A_720 : i32 to vector<16xi32>
      %gather3A_722 = tpu.vector_load_idx %arg10[%add3A_700, %broadcast_in_dim3A_721] : memref<2560x16xf32, #tpu.memory_space<vmem>>[vector<16xi32>, vector<16xi32>], vector<16xf32>,
      %mul3A_723 = arith.mulf %gather3A_409, %gather3A_722 : vector<16xf32>
      %add3A_724 = arith.addf %add3A_719, %mul3A_723 : vector<16xf32>
      %broadcast_in_dim3A_725 = arith.constant 5 : i32
      %broadcast_in_dim3A_726 = vector.broadcast %broadcast_in_dim3A_725 : i32 to vector<16xi32>
      %gather3A_727 = tpu.vector_load_idx %arg10[%add3A_700, %broadcast_in_dim3A_726] : memref<2560x16xf32, #tpu.memory_space<vmem>>[vector<16xi32>, vector<16xi32>], vector<16xf32>,
      %mul3A_728 = arith.mulf %gather3A_412, %gather3A_727 : vector<16xf32>
      %add3A_729 = arith.addf %add3A_724, %mul3A_728 : vector<16xf32>
      %broadcast_in_dim3A_730 = arith.constant 6 : i32
      %broadcast_in_dim3A_731 = vector.broadcast %broadcast_in_dim3A_730 : i32 to vector<16xi32>
      %gather3A_732 = tpu.vector_load_idx %arg10[%add3A_700, %broadcast_in_dim3A_731] : memref<2560x16xf32, #tpu.memory_space<vmem>>[vector<16xi32>, vector<16xi32>], vector<16xf32>,
      %mul3A_733 = arith.mulf %gather3A_415, %gather3A_732 : vector<16xf32>
      %add3A_734 = arith.addf %add3A_729, %mul3A_733 : vector<16xf32>
      %broadcast_in_dim3A_735 = arith.constant 7 : i32
      %broadcast_in_dim3A_736 = vector.broadcast %broadcast_in_dim3A_735 : i32 to vector<16xi32>
      %gather3A_737 = tpu.vector_load_idx %arg10[%add3A_700, %broadcast_in_dim3A_736] : memref<2560x16xf32, #tpu.memory_space<vmem>>[vector<16xi32>, vector<16xi32>], vector<16xf32>,
      %mul3A_738 = arith.mulf %gather3A_418, %gather3A_737 : vector<16xf32>
      %add3A_739 = arith.addf %add3A_734, %mul3A_738 : vector<16xf32>
      %broadcast_in_dim3A_740 = arith.constant 8 : i32
      %broadcast_in_dim3A_741 = vector.broadcast %broadcast_in_dim3A_740 : i32 to vector<16xi32>
      %gather3A_742 = tpu.vector_load_idx %arg10[%add3A_700, %broadcast_in_dim3A_741] : memref<2560x16xf32, #tpu.memory_space<vmem>>[vector<16xi32>, vector<16xi32>], vector<16xf32>,
      %mul3A_743 = arith.mulf %gather3A_421, %gather3A_742 : vector<16xf32>
      %add3A_744 = arith.addf %add3A_739, %mul3A_743 : vector<16xf32>
      %broadcast_in_dim3A_745 = arith.constant 9 : i32
      %broadcast_in_dim3A_746 = vector.broadcast %broadcast_in_dim3A_745 : i32 to vector<16xi32>
      %gather3A_747 = tpu.vector_load_idx %arg10[%add3A_700, %broadcast_in_dim3A_746] : memref<2560x16xf32, #tpu.memory_space<vmem>>[vector<16xi32>, vector<16xi32>], vector<16xf32>,
      %mul3A_748 = arith.mulf %gather3A_424, %gather3A_747 : vector<16xf32>
      %add3A_749 = arith.addf %add3A_744, %mul3A_748 : vector<16xf32>
      %broadcast_in_dim3A_750 = arith.constant 10 : i32
      %broadcast_in_dim3A_751 = vector.broadcast %broadcast_in_dim3A_750 : i32 to vector<16xi32>
      %gather3A_752 = tpu.vector_load_idx %arg10[%add3A_700, %broadcast_in_dim3A_751] : memref<2560x16xf32, #tpu.memory_space<vmem>>[vector<16xi32>, vector<16xi32>], vector<16xf32>,
      %mul3A_753 = arith.mulf %gather3A_427, %gather3A_752 : vector<16xf32>
      %add3A_754 = arith.addf %add3A_749, %mul3A_753 : vector<16xf32>
      %broadcast_in_dim3A_755 = arith.constant 11 : i32
      %broadcast_in_dim3A_756 = vector.broadcast %broadcast_in_dim3A_755 : i32 to vector<16xi32>
      %gather3A_757 = tpu.vector_load_idx %arg10[%add3A_700, %broadcast_in_dim3A_756] : memref<2560x16xf32, #tpu.memory_space<vmem>>[vector<16xi32>, vector<16xi32>], vector<16xf32>,
      %mul3A_758 = arith.mulf %gather3A_430, %gather3A_757 : vector<16xf32>
      %add3A_759 = arith.addf %add3A_754, %mul3A_758 : vector<16xf32>
      %broadcast_in_dim3A_760 = arith.constant 12 : i32
      %broadcast_in_dim3A_761 = vector.broadcast %broadcast_in_dim3A_760 : i32 to vector<16xi32>
      %gather3A_762 = tpu.vector_load_idx %arg10[%add3A_700, %broadcast_in_dim3A_761] : memref<2560x16xf32, #tpu.memory_space<vmem>>[vector<16xi32>, vector<16xi32>], vector<16xf32>,
      %mul3A_763 = arith.mulf %gather3A_433, %gather3A_762 : vector<16xf32>
      %add3A_764 = arith.addf %add3A_759, %mul3A_763 : vector<16xf32>
      %broadcast_in_dim3A_765 = arith.constant 13 : i32
      %broadcast_in_dim3A_766 = vector.broadcast %broadcast_in_dim3A_765 : i32 to vector<16xi32>
      %gather3A_767 = tpu.vector_load_idx %arg10[%add3A_700, %broadcast_in_dim3A_766] : memref<2560x16xf32, #tpu.memory_space<vmem>>[vector<16xi32>, vector<16xi32>], vector<16xf32>,
      %mul3A_768 = arith.mulf %gather3A_436, %gather3A_767 : vector<16xf32>
      %add3A_769 = arith.addf %add3A_764, %mul3A_768 : vector<16xf32>
      %broadcast_in_dim3A_770 = arith.constant 14 : i32
      %broadcast_in_dim3A_771 = vector.broadcast %broadcast_in_dim3A_770 : i32 to vector<16xi32>
      %gather3A_772 = tpu.vector_load_idx %arg10[%add3A_700, %broadcast_in_dim3A_771] : memref<2560x16xf32, #tpu.memory_space<vmem>>[vector<16xi32>, vector<16xi32>], vector<16xf32>,
      %mul3A_773 = arith.mulf %gather3A_439, %gather3A_772 : vector<16xf32>
      %add3A_774 = arith.addf %add3A_769, %mul3A_773 : vector<16xf32>
      %broadcast_in_dim3A_775 = arith.constant 15 : i32
      %broadcast_in_dim3A_776 = vector.broadcast %broadcast_in_dim3A_775 : i32 to vector<16xi32>
      %gather3A_777 = tpu.vector_load_idx %arg10[%add3A_700, %broadcast_in_dim3A_776] : memref<2560x16xf32, #tpu.memory_space<vmem>>[vector<16xi32>, vector<16xi32>], vector<16xf32>,
      %mul3A_778 = arith.mulf %gather3A_442, %gather3A_777 : vector<16xf32>
      %add3A_779 = arith.addf %add3A_774, %mul3A_778 : vector<16xf32>
      %broadcast_in_dim3A_780 = arith.constant 3 : i32
      %broadcast_in_dim3A_781 = vector.broadcast %broadcast_in_dim3A_780 : i32 to vector<16xi32>
      tpu.vector_store_idx %arg11[%add3A_396, %broadcast_in_dim3A_781], %add3A_779 : memref<512x5xf32, #tpu.memory_space<vmem>>[vector<16xi32>, vector<16xi32>], vector<16xf32>,
      %add3A_782 = arith.constant 4 : i32
      %add3A_783 = vector.broadcast %add3A_782 : i32 to vector<16xi32>
      %add3A_784 = arith.addi %mul3A_445, %add3A_783 : vector<16xi32>
      %broadcast_in_dim3A_785 = arith.constant 0 : i32
      %broadcast_in_dim3A_786 = vector.broadcast %broadcast_in_dim3A_785 : i32 to vector<16xi32>
      %gather3A_787 = tpu.vector_load_idx %arg10[%add3A_784, %broadcast_in_dim3A_786] : memref<2560x16xf32, #tpu.memory_space<vmem>>[vector<16xi32>, vector<16xi32>], vector<16xf32>,
      %mul3A_788 = arith.mulf %gather3A, %gather3A_787 : vector<16xf32>
      %broadcast_in_dim3A_789 = arith.constant 1 : i32
      %broadcast_in_dim3A_790 = vector.broadcast %broadcast_in_dim3A_789 : i32 to vector<16xi32>
      %gather3A_791 = tpu.vector_load_idx %arg10[%add3A_784, %broadcast_in_dim3A_790] : memref<2560x16xf32, #tpu.memory_space<vmem>>[vector<16xi32>, vector<16xi32>], vector<16xf32>,
      %mul3A_792 = arith.mulf %gather3A_400, %gather3A_791 : vector<16xf32>
      %add3A_793 = arith.addf %mul3A_788, %mul3A_792 : vector<16xf32>
      %broadcast_in_dim3A_794 = arith.constant 2 : i32
      %broadcast_in_dim3A_795 = vector.broadcast %broadcast_in_dim3A_794 : i32 to vector<16xi32>
      %gather3A_796 = tpu.vector_load_idx %arg10[%add3A_784, %broadcast_in_dim3A_795] : memref<2560x16xf32, #tpu.memory_space<vmem>>[vector<16xi32>, vector<16xi32>], vector<16xf32>,
      %mul3A_797 = arith.mulf %gather3A_403, %gather3A_796 : vector<16xf32>
      %add3A_798 = arith.addf %add3A_793, %mul3A_797 : vector<16xf32>
      %broadcast_in_dim3A_799 = arith.constant 3 : i32
      %broadcast_in_dim3A_800 = vector.broadcast %broadcast_in_dim3A_799 : i32 to vector<16xi32>
      %gather3A_801 = tpu.vector_load_idx %arg10[%add3A_784, %broadcast_in_dim3A_800] : memref<2560x16xf32, #tpu.memory_space<vmem>>[vector<16xi32>, vector<16xi32>], vector<16xf32>,
      %mul3A_802 = arith.mulf %gather3A_406, %gather3A_801 : vector<16xf32>
      %add3A_803 = arith.addf %add3A_798, %mul3A_802 : vector<16xf32>
      %broadcast_in_dim3A_804 = arith.constant 4 : i32
      %broadcast_in_dim3A_805 = vector.broadcast %broadcast_in_dim3A_804 : i32 to vector<16xi32>
      %gather3A_806 = tpu.vector_load_idx %arg10[%add3A_784, %broadcast_in_dim3A_805] : memref<2560x16xf32, #tpu.memory_space<vmem>>[vector<16xi32>, vector<16xi32>], vector<16xf32>,
      %mul3A_807 = arith.mulf %gather3A_409, %gather3A_806 : vector<16xf32>
      %add3A_808 = arith.addf %add3A_803, %mul3A_807 : vector<16xf32>
      %broadcast_in_dim3A_809 = arith.constant 5 : i32
      %broadcast_in_dim3A_810 = vector.broadcast %broadcast_in_dim3A_809 : i32 to vector<16xi32>
      %gather3A_811 = tpu.vector_load_idx %arg10[%add3A_784, %broadcast_in_dim3A_810] : memref<2560x16xf32, #tpu.memory_space<vmem>>[vector<16xi32>, vector<16xi32>], vector<16xf32>,
      %mul3A_812 = arith.mulf %gather3A_412, %gather3A_811 : vector<16xf32>
      %add3A_813 = arith.addf %add3A_808, %mul3A_812 : vector<16xf32>
      %broadcast_in_dim3A_814 = arith.constant 6 : i32
      %broadcast_in_dim3A_815 = vector.broadcast %broadcast_in_dim3A_814 : i32 to vector<16xi32>
      %gather3A_816 = tpu.vector_load_idx %arg10[%add3A_784, %broadcast_in_dim3A_815] : memref<2560x16xf32, #tpu.memory_space<vmem>>[vector<16xi32>, vector<16xi32>], vector<16xf32>,
      %mul3A_817 = arith.mulf %gather3A_415, %gather3A_816 : vector<16xf32>
      %add3A_818 = arith.addf %add3A_813, %mul3A_817 : vector<16xf32>
      %broadcast_in_dim3A_819 = arith.constant 7 : i32
      %broadcast_in_dim3A_820 = vector.broadcast %broadcast_in_dim3A_819 : i32 to vector<16xi32>
      %gather3A_821 = tpu.vector_load_idx %arg10[%add3A_784, %broadcast_in_dim3A_820] : memref<2560x16xf32, #tpu.memory_space<vmem>>[vector<16xi32>, vector<16xi32>], vector<16xf32>,
      %mul3A_822 = arith.mulf %gather3A_418, %gather3A_821 : vector<16xf32>
      %add3A_823 = arith.addf %add3A_818, %mul3A_822 : vector<16xf32>
      %broadcast_in_dim3A_824 = arith.constant 8 : i32
      %broadcast_in_dim3A_825 = vector.broadcast %broadcast_in_dim3A_824 : i32 to vector<16xi32>
      %gather3A_826 = tpu.vector_load_idx %arg10[%add3A_784, %broadcast_in_dim3A_825] : memref<2560x16xf32, #tpu.memory_space<vmem>>[vector<16xi32>, vector<16xi32>], vector<16xf32>,
      %mul3A_827 = arith.mulf %gather3A_421, %gather3A_826 : vector<16xf32>
      %add3A_828 = arith.addf %add3A_823, %mul3A_827 : vector<16xf32>
      %broadcast_in_dim3A_829 = arith.constant 9 : i32
      %broadcast_in_dim3A_830 = vector.broadcast %broadcast_in_dim3A_829 : i32 to vector<16xi32>
      %gather3A_831 = tpu.vector_load_idx %arg10[%add3A_784, %broadcast_in_dim3A_830] : memref<2560x16xf32, #tpu.memory_space<vmem>>[vector<16xi32>, vector<16xi32>], vector<16xf32>,
      %mul3A_832 = arith.mulf %gather3A_424, %gather3A_831 : vector<16xf32>
      %add3A_833 = arith.addf %add3A_828, %mul3A_832 : vector<16xf32>
      %broadcast_in_dim3A_834 = arith.constant 10 : i32
      %broadcast_in_dim3A_835 = vector.broadcast %broadcast_in_dim3A_834 : i32 to vector<16xi32>
      %gather3A_836 = tpu.vector_load_idx %arg10[%add3A_784, %broadcast_in_dim3A_835] : memref<2560x16xf32, #tpu.memory_space<vmem>>[vector<16xi32>, vector<16xi32>], vector<16xf32>,
      %mul3A_837 = arith.mulf %gather3A_427, %gather3A_836 : vector<16xf32>
      %add3A_838 = arith.addf %add3A_833, %mul3A_837 : vector<16xf32>
      %broadcast_in_dim3A_839 = arith.constant 11 : i32
      %broadcast_in_dim3A_840 = vector.broadcast %broadcast_in_dim3A_839 : i32 to vector<16xi32>
      %gather3A_841 = tpu.vector_load_idx %arg10[%add3A_784, %broadcast_in_dim3A_840] : memref<2560x16xf32, #tpu.memory_space<vmem>>[vector<16xi32>, vector<16xi32>], vector<16xf32>,
      %mul3A_842 = arith.mulf %gather3A_430, %gather3A_841 : vector<16xf32>
      %add3A_843 = arith.addf %add3A_838, %mul3A_842 : vector<16xf32>
      %broadcast_in_dim3A_844 = arith.constant 12 : i32
      %broadcast_in_dim3A_845 = vector.broadcast %broadcast_in_dim3A_844 : i32 to vector<16xi32>
      %gather3A_846 = tpu.vector_load_idx %arg10[%add3A_784, %broadcast_in_dim3A_845] : memref<2560x16xf32, #tpu.memory_space<vmem>>[vector<16xi32>, vector<16xi32>], vector<16xf32>,
      %mul3A_847 = arith.mulf %gather3A_433, %gather3A_846 : vector<16xf32>
      %add3A_848 = arith.addf %add3A_843, %mul3A_847 : vector<16xf32>
      %broadcast_in_dim3A_849 = arith.constant 13 : i32
      %broadcast_in_dim3A_850 = vector.broadcast %broadcast_in_dim3A_849 : i32 to vector<16xi32>
      %gather3A_851 = tpu.vector_load_idx %arg10[%add3A_784, %broadcast_in_dim3A_850] : memref<2560x16xf32, #tpu.memory_space<vmem>>[vector<16xi32>, vector<16xi32>], vector<16xf32>,
      %mul3A_852 = arith.mulf %gather3A_436, %gather3A_851 : vector<16xf32>
      %add3A_853 = arith.addf %add3A_848, %mul3A_852 : vector<16xf32>
      %broadcast_in_dim3A_854 = arith.constant 14 : i32
      %broadcast_in_dim3A_855 = vector.broadcast %broadcast_in_dim3A_854 : i32 to vector<16xi32>
      %gather3A_856 = tpu.vector_load_idx %arg10[%add3A_784, %broadcast_in_dim3A_855] : memref<2560x16xf32, #tpu.memory_space<vmem>>[vector<16xi32>, vector<16xi32>], vector<16xf32>,
      %mul3A_857 = arith.mulf %gather3A_439, %gather3A_856 : vector<16xf32>
      %add3A_858 = arith.addf %add3A_853, %mul3A_857 : vector<16xf32>
      %broadcast_in_dim3A_859 = arith.constant 15 : i32
      %broadcast_in_dim3A_860 = vector.broadcast %broadcast_in_dim3A_859 : i32 to vector<16xi32>
      %gather3A_861 = tpu.vector_load_idx %arg10[%add3A_784, %broadcast_in_dim3A_860] : memref<2560x16xf32, #tpu.memory_space<vmem>>[vector<16xi32>, vector<16xi32>], vector<16xf32>,
      %mul3A_862 = arith.mulf %gather3A_442, %gather3A_861 : vector<16xf32>
      %add3A_863 = arith.addf %add3A_858, %mul3A_862 : vector<16xf32>
      %broadcast_in_dim3A_864 = arith.constant 4 : i32
      %broadcast_in_dim3A_865 = vector.broadcast %broadcast_in_dim3A_864 : i32 to vector<16xi32>
      tpu.vector_store_idx %arg11[%add3A_396, %broadcast_in_dim3A_865], %add3A_863 : memref<512x5xf32, #tpu.memory_space<vmem>>[vector<16xi32>, vector<16xi32>], vector<16xf32>,
    }
    %scan3A_391 = arith.constant 32 : i32
    "tpu.region"() ({
      %run_scoped3A = tpu.sem_alloc : memref<!tpu.dma_semaphore, #tpu.memory_space<semaphore_mem>>
      %dma_start3A_392 = arith.constant 0 : i32
      %dma_start3A_393 = tpu.memref_slice %arg6[%mul3A_2, %dma_start3A_392] : memref<16384x5xf32, #tpu.memory_space<hbm>> -> memref<512x5xf32, #tpu.memory_space<hbm>>
      %dma_start3A_394 = arith.constant 0 : i32
      %dma_start3A_395 = tpu.memref_slice %arg6[%mul3A_2, %dma_start3A_394] : memref<16384x5xf32, #tpu.memory_space<hbm>> -> memref<512x5xf32, #tpu.memory_space<hbm>>
      tpu.enqueue_dma source(%arg11 : memref<512x5xf32, #tpu.memory_space<vmem>>) target(%dma_start3A_395 : memref<512x5xf32, #tpu.memory_space<hbm>>) target_semaphore(%run_scoped3A : memref<!tpu.dma_semaphore, #tpu.memory_space<semaphore_mem>>)
      %dma_wait3A_396 = arith.constant 0 : i32
      %dma_wait3A_397 = tpu.memref_slice %arg6[%mul3A_2, %dma_wait3A_396] : memref<16384x5xf32, #tpu.memory_space<hbm>> -> memref<512x5xf32, #tpu.memory_space<hbm>>
      %dma_wait3A_398 = arith.constant 0 : i32
      %dma_wait3A_399 = tpu.memref_slice %arg6[%mul3A_2, %dma_wait3A_398] : memref<16384x5xf32, #tpu.memory_space<hbm>> -> memref<512x5xf32, #tpu.memory_space<hbm>>
      tpu.wait_dma2 semaphore(%run_scoped3A : memref<!tpu.dma_semaphore, #tpu.memory_space<semaphore_mem>>) src(%arg11 : memref<512x5xf32, #tpu.memory_space<vmem>>) dst(%dma_wait3A_399 : memref<512x5xf32, #tpu.memory_space<hbm>>)
      tpu.yield
    }) : () -> ()
    return
  }
}

</mosaic_0001>

<sc_bundles>
// kernel: _score.3.cloned.1.call-start
scs
__scs_entry_jumppad:
0x0: {  	(pc) =	sbr.rel $0x88, $3  }
0x1: {  	(tag) =	ssettag $0x0;
	lr =	simm.s32 $0x1  }
0x2: {  	[smem:$0x3F9D] =	sst lr;
	_ =	strace $0xD0000000  }
0x3: {  	_ = 	snop  }
0x4: {  	_ = 	snop  }
0x5: {  	_ = 	snop  }
0x6: {  	_ = 	snop  }
0x7: {  	_ = 	snop  }
__scs_overlays_trampoline_lowered:
0x8: {  	[smem:$0x3FAC] =	sst s0  }
0x9: {  	[smem:$0x3FAD] =	sst s1  }
0xa: {  	[smem:$0x3FAE] =	sst s2  }
0xb: {  	[smem:$0x3FAF] =	sst s3  }
0xc: {  	[smem:$0x3FB0] =	sst s4  }
0xd: {  	[smem:$0x3FB1] =	sst s5  }
0xe: {  	[smem:$0x3FB2] =	sst s6  }
0xf: {  	[smem:$0x3FB3] =	sst s7  }
0x10: {  	[smem:$0x3FB4] =	sst s8  }
0x11: {  	[smem:$0x3FB5] =	sst s9;
	s0 =	simm.s32 @!p0 $0x0  }
0x12: {  	s1 =	sld [smem:$0x3F9B];
	s0 =	simm.s32 @p0 $0x1  }
0x13: {  	[smem:$0x3FB6] =	sst s0;
	s0 =	simm.s32 @!p1 $0x0  }
0x14: {  	s2 =	sld [smem:$0x3F9A];
	s0 =	simm.s32 @p1 $0x1  }
0x15: {  	[smem:$0x3FB7] =	sst s0;
	s0 =	simm.s32 @!p2 $0x0  }
0x16: {  	s3 =	sld [smem:$0x3FDB];
	s0 =	simm.s32 @p2 $0x1  }
0x17: {  	s4 =	simm.s32 $0x1BF5;
	[smem:$0x3FB9] =	sst s0  }
0x18: {  	s0 =	sld [smem:$0x3F9C];
	_ =	swait.ge [sflag:s4], $0x0  }
0x19: {  	s7 =	sld [smem:$0x3F9D]  }
0x1a: {  	s8 =	sadd.s32 $0xFFFFE003, lr  }
0x1b: {  	s9 =	sadd.s32 $0xFFFFFEF7, lr;
	s5 =	simm.s32 $0xFFFFFFFF;
	p2 =	slt.u32 s8, $0xFFFFF086  }
0x1c: {  	p1 =	slt.u32 s9, $0xF7A;
	s5 =	simm.s32 @!p2 $0x0  }
0x1d: {  	s5 =	simm.s32 @p1 $0x1;
	p0 =	seq.s32 s7, s2  }
0x1e: {  	s7 =	smul.u32 @!p0 $0xF7A, s2;
	p2 =	seq.s32 @!p0 s5, $0x0  }
0x1f: {  	s9 =	smul.u32 $0xF7A, s1;
	s8 =	simm.s32 @!p0 $0x1BF5;
	p2 =	por !p2, p0  }
0x20: {  	[sflag:s8] =	ssyncset.s32 @!p0 $0xFFFFF086;
	s6 =	sadd.s32 @!p0 s3, s7;
	s7 =	simm.s32 @!p0 $0x108  }
0x21: {  	s3 =	sadd.s32 s3, s9;
	s6 =	sadd.s32 @!p0 $0x88, s6;
	s7 =	simm.s32 @p2 $0x1082  }
0x22: {  	[simem:s7], [sflag:s8] =	dma.local @!p0 [hbm:s6], $0xF7A  }
0x23: {  	s9 =	sor.u32 $0xD0000000, s2;
	s6 =	simm.s32 $0x108;
	_ =	swait.ge @!p0 [sflag:s8], $0x0  }
0x24: {  	s3 =	sadd.s32 $0x88, s3;
	s6 =	simm.s32 @!p1 $0x1082;
	[sflag:s4] =	ssyncset.s32 $0xFFFFF086  }
0x25: {  	[simem:s6], [sflag:s4] =	dma.local [hbm:s3], $0xF7A  }
0x26: {  	[smem:$0x3F9D] =	sst s1;
	(tag) =	ssettag s2;
	_ =	strace s9  }
0x27: {  	s1 =	sld [smem:$0x3FAD]  }
0x28: {  	s2 =	sld [smem:$0x3FAE]  }
0x29: {  	s4 =	sld [smem:$0x3FB0]  }
0x2a: {  	p0 =	seq.s32 s5, $0x0;
	s5 =	sld [smem:$0x3FB1]  }
0x2b: {  	s6 =	sld [smem:$0x3FB2]  }
0x2c: {  	s7 =	sld [smem:$0x3FB3]  }
0x2d: {  	s3 =	simm.s32 $0x108;
	s8 =	sld [smem:$0x3FB4]  }
0x2e: {  	s3 =	simm.s32 @!p0 $0x1082;
	s9 =	sld [smem:$0x3FB5]  }
0x2f: {  	lr =	sadd.s32 s0, s3;
	s0 =	sld [smem:$0x3FAC]  }
0x30: {  	s3 =	sld [smem:$0x3FAF]  }
0x31: {  	[smem:$0x3FB8] =	sst s10  }
0x32: {  	s10 =	sld [smem:$0x3FB6];
	_ =	sdelay $0x3  }
0x33: {  	p0 =	seq.s32 s10, $0x1;
	s10 =	sld [smem:$0x3FB8];
	_ =	sdelay $0x3  }
0x34: {  	[smem:$0x3FB8] =	sst s10  }
0x35: {  	s10 =	sld [smem:$0x3FB7];
	_ =	sdelay $0x3  }
0x36: {  	p1 =	seq.s32 s10, $0x1;
	s10 =	sld [smem:$0x3FB8];
	_ =	sdelay $0x3  }
0x37: {  	[smem:$0x3FB8] =	sst s10  }
0x38: {  	s10 =	sld [smem:$0x3FB9]  }
0x39: {  	_ = 	snop;
	(pc) =	sbr.ind lr, $3  }
0x3a: {  	_ = 	snop  }
0x3b: {  	_ = 	snop  }
0x3c: {  	p2 =	seq.s32 s10, $0x1;
	s10 =	sld [smem:$0x3FB8]  }
0x3d: {  	_ =	shalt  }
0x3e: {  	_ =	shalt  }
0x3f: {  	_ =	shalt  }
0x40: {  	_ =	shalt  }
0x41: {  	_ =	shalt  }
0x42: {  	_ =	shalt  }
0x43: {  	_ =	shalt  }
0x44: {  	_ =	shalt  }
0x45: {  	_ =	shalt  }
0x46: {  	_ =	shalt  }
0x47: {  	_ =	shalt  }
0x48: {  	_ =	shalt  }
0x49: {  	_ =	shalt  }
0x4a: {  	_ =	shalt  }
0x4b: {  	_ =	shalt  }
0x4c: {  	_ =	shalt  }
0x4d: {  	_ =	shalt  }
0x4e: {  	_ =	shalt  }
0x4f: {  	_ =	shalt  }
0x50: {  	_ =	shalt  }
0x51: {  	_ =	shalt  }
0x52: {  	_ =	shalt  }
0x53: {  	_ =	shalt  }
0x54: {  	_ =	shalt  }
0x55: {  	_ =	shalt  }
0x56: {  	_ =	shalt  }
0x57: {  	_ =	shalt  }
0x58: {  	_ =	shalt  }
0x59: {  	_ =	shalt  }
0x5a: {  	_ =	shalt  }
0x5b: {  	_ =	shalt  }
0x5c: {  	_ =	shalt  }
0x5d: {  	_ =	shalt  }
0x5e: {  	_ =	shalt  }
0x5f: {  	_ =	shalt  }
0x60: {  	_ =	shalt  }
0x61: {  	_ =	shalt  }
0x62: {  	_ =	shalt  }
0x63: {  	_ =	shalt  }
0x64: {  	_ =	shalt  }
0x65: {  	_ =	shalt  }
0x66: {  	_ =	shalt  }
0x67: {  	_ =	shalt  }
0x68: {  	_ =	shalt  }
0x69: {  	_ =	shalt  }
0x6a: {  	_ =	shalt  }
0x6b: {  	_ =	shalt  }
0x6c: {  	_ =	shalt  }
0x6d: {  	_ =	shalt  }
0x6e: {  	_ =	shalt  }
0x6f: {  	_ =	shalt  }
0x70: {  	_ =	shalt  }
0x71: {  	_ =	shalt  }
0x72: {  	_ =	shalt  }
0x73: {  	_ =	shalt  }
0x74: {  	_ =	shalt  }
0x75: {  	_ =	shalt  }
0x76: {  	_ =	shalt  }
0x77: {  	_ =	shalt  }
0x78: {  	_ =	shalt  }
0x79: {  	_ =	shalt  }
0x7a: {  	_ =	shalt  }
0x7b: {  	_ =	shalt  }
0x7c: {  	_ =	shalt  }
0x7d: {  	_ =	shalt  }
0x7e: {  	_ =	shalt  }
0x7f: {  	_ =	shalt  }
0x80: {  	_ =	shalt  }
0x81: {  	_ =	shalt  }
0x82: {  	_ =	shalt  }
0x83: {  	_ =	shalt  }
0x84: {  	_ =	shalt  }
0x85: {  	_ =	shalt  }
0x86: {  	_ =	shalt  }
0x87: {  	_ =	shalt  }
.Lfunc_end0:
.L_simem_size_0:
called_computation_lowered:
.L_overlay_start_0:
0x88: {  	s2 =	sld [smem:$0x3FD9]  }
0x89: {  	s3 =	sld [smem:$0x3FFE];
	_ =	sdelay $0x1  }
0x8a: {  	s1 =	srdreg.scid  }
0x8b: {  	s0 =	sand.u32 $0x1, s1  }
0x8c: {  	s17 =	sshll.u32 s0, $0xA;
	s2 =	sadd.s32 s3, s2  }
0x8d: {  	s2 =	sadd.s32 s2, s17  }
0x8e: {  	[smem:$0x3FC4] =	sst s2  }
0x8f: {  	_ = 	snop  }
0x90: {  	s2 =	sld [smem:$0x3FC9]  }
0x91: {  	s18 =	sld [smem:$0x3FC8]  }
0x92: {  	s4 =	sld [smem:$0x3FD0];
	(tm) =	ssettm $0x1  }
0x93: {  	s5 =	sld [smem:$0x3FFB];
	_ =	sdelay $0x3  }
0x94: {  	_ =	strace s5  }
0x95: {  	s5 =	sld [smem:$0x3FFC];
	_ =	sdelay $0x3  }
0x96: {  	_ =	strace s5  }
0x97: {  	s5 =	sld [smem:$0x3FFD];
	_ =	sdelay $0x3  }
0x98: {  	_ =	strace s5  }
0x99: {  	_ =	strace $0x8FFFFFFF  }
0x9a: {  	s19 =	sld [smem:$0x3FDB];
	_ =	sdelay $0x1  }
0x9b: {  	s6 =	simm.s32 $_scs_section_size  }
0x9c: {  	s7 =	simm.s32 $_size__tile_overlayer_lowered;
	s8 =	simm.s32 $_tile_overlayer_lowered  }
0x9d: {  	s22 =	simm.s32 $0x1BFF;
	s21 =	sshll.u32 s8, $0x1;
	s5 =	sadd.s32 s6, s19  }
0x9e: {  	s9 =	simm.s32 $0x0;
	s20 =	sshll.u32 s7, $0x1;
	s7 =	sadd.s32 s21, s5  }
0x9f: {  	[timem:s9], [sflag:s22] =	dma.local [hbm:s7], s20  }
0xa0: {  	_ =	swait.ge [sflag:s22], s20  }
0xa1: {  	s6 =	ssub.s32 $0x0, s20;
	[sflag:s22] =	ssyncset.done $0x0  }
0xa2: {  	[sflag:s22] =	ssyncadd.s32 s6;
	_ =	sdelay $0x1  }
0xa3: {  	s23 =	simm.s32 $0x1B8B  }
0xa4: {  	_ =	swait.ge [sflag:s23], $0x1  }
0xa5: {  	[sflag:s23] =	ssyncset.done $0x0  }
0xa6: {  	s25 =	simm.s32 $0x1B8E;
	s24 =	sld [smem:$0x3FFE];
	[sflag:s23] =	ssyncadd.s32 $0xFFFFFFFF  }
0xa7: {  	s26 =	simm.s32 $execute0_lowered;
	[smem:$0x3FD2] =	sst s25  }
0xa8: {  	s7 =	sshll.u32 s26, $0x1;
	_ =	strace $0x80000046;
	[dreg:$0x1] =	wrdreg $0xFFFFFFFF  }
0xa9: {  	s28 =	simm.s32 $_size_execute0_lowered;
	s5 =	sadd.s32 s5, s7;
	[dreg:$0x0] =	wrdreg $0x0  }
0xaa: {  	s7 =	sshll.u32 s28, $0x1;
	[dreg:$0x2] =	wrdreg s5  }
0xab: {  	[dreg:$0x3] =	wrdreg s7  }
0xac: {  	[dreg:$0x4] =	wrdreg $0xC0  }
0xad: {  	_ =	task [dreg:s9], $0x5FFFF  }
0xae: {  	[dreg:$0x1] =	wrdreg $0xFFFFFFFF  }
0xaf: {  	[dreg:$0x0] =	wrdreg $0x60  }
0xb0: {  	[dreg:$0x2] =	wrdreg s2  }
0xb1: {  	[dreg:$0x3] =	wrdreg s18  }
0xb2: {  	[dreg:$0x4] =	wrdreg s24  }
0xb3: {  	[dreg:$0x5] =	wrdreg s4  }
0xb4: {  	[dreg:$0x6] =	wrdreg $0x9  }
0xb5: {  	_ =	task.clear_ibuf [dreg:s9], $0x7FFFF;
	_ =	strace $0x90000046  }
0xb6: {  	s29 =	simm.s32 $0x9;
	_ =	strace $0x80000048  }
0xb7: {  	_ =	swait.ge [sflag:s29], $0x1  }
0xb8: {  	[sflag:s29] =	ssyncadd.s32 $0xFFFFFFFF  }
0xb9: {  	_ =	strace $0x90000048  }
0xba: {  	_ =	sfence  }
0xbb: {  	s30 =	sld [smem:$0x0];
	_ =	sdelay $0x2  }
0xbc: {  	s31 =	sshll.u32 s1, $0xD;
	s1 =	sshrl.u32 s1, $0x2  }
0xbd: {  	s3 =	sand.u32 $0x4000, s31;
	s1 =	sadd.s32 s1, s30  }
0xbe: {  	s0 =	sor.u32 s3, s0;
	s1 =	sshll.u32 s1, $0x11  }
0xbf: {  	s0 =	sor.u32 s1, s0  }
0xc0: {  	s0 =	sadd.s32 $0x8F2B, s0  }
0xc1: {  	[sflag:s0] =	ssyncadd.remote.s32 $0x1  }
0xc2: {  	_ =	sfence.sel $0xFFFF  }
0xc3: {  	[dreg:$0x0] =	wrdreg $0xFFFFFFFF;
	(pc) =	sbr.abs _section_cstart, $3  }
0xc4: {  	[dreg:$0x1] =	wrdreg $0xFFFFFFFF  }
0xc5: {  	_ =	task.clear_ibuf [dreg:s9], $0x2FFFF;
	_ =	strace $0x9FFFFFFF  }
0xc6: {  	(tm) =	ssettm $0x7FFFFFFF  }
0xc7: {  	_ =	shalt  }
tec
execute0_lowered:
.L_overlay_start_1:
0x0: {  	(tag) =	ssettag $0x1  }
0x1: {  	s0 =	rddreg [dreg:$0x0]  }
0x2: {  	s1 =	rddreg [dreg:$0x1]  }
0x3: {  	s4 =	rddreg [dreg:$0x2]  }
0x4: {  	s7 =	rddreg [dreg:$0x3]  }
0x5: {  	s2 =	simm.s32 $0x0;
	s5 =	srdreg.scid;
	s6 =	stileid.u32  }
0x6: {  	s11 =	simm.s32 $0x80;
	s12 =	simm.s32 $0xC00;
	s18 =	simm.s32 $0x2C00  }
0x7: {  	s24 =	simm.s32 $0x880;
	s28 =	simm.s32 $0x9C00;
	s29 =	simm.s32 $0x980  }
0x8: {  	s30 =	simm.s32 $0xA400;
	s31 =	simm.s32 $0xA00;
	s13 =	simm.s32 $0xB400  }
0x9: {  	s14 =	simm.s32 $0xB00;
	s15 =	simm.s32 $0xBC00;
	s16 =	simm.s32 $0xB80  }
0xa: {  	s17 =	simm.s32 $0xC400;
	s19 =	simm.s32 $0x1;
	s20 =	simm.s32 $0xCC00  }
0xb: {  	s21 =	simm.s32 $0x0;
	[smem:$0x7FF] =	sst s2;
	s3 =	sadd.s32 $0xF42800, s4  }
0xc: {  	s5 =	sand.u32 $0x1, s5;
	s6 =	sshll.u32 s6, $0x1;
	s4 =	sadd.s32 $0x112AE00, s4  }
0xd: {  	_ =	strace $0x80000047;
	s8 =	ssub.s32 $0x2, s5;
	s6 =	sor.u32 s5, s6  }
0xe: {  	s25 =	sshrl.u32 s8, $0x1;
	s9 =	sshll.u32 s6, $0x6;
	s10 =	smul.u32 $0x140, s6  }
0xf: {  	s26 =	sshll.u32 s6, $0x9;
	s8 =	ssub.s32 s8, s25;
	s5 =	sadd.s32 s0, s9  }
0x10: {  	s7 =	sadd.s32 s7, s26;
	s9 =	simm.s32 $0x2;
	s25 =	simm.s32 $0x9400  }
0x11: {  	s26 =	simm.s32 $0x900;
	s0 =	simm.s32 $0xAC00;
	s6 =	sadd.s32 s1, s10  }
0x12: {  	v0 =	vlaneseq.u32;
	s8 =	smax.u32 s8, $0x1;
	s10 =	simm.s32 $0x200;
	s1 =	simm.s32 $0xA80  }
.LBB2_1:
0x13: {  	[tilespmem:s2], [sflag:$0x2] =	stream.linear.gather [hbm4b:s5+s2], $0x200, $0x38;
	[tilespmem:$0xDC00] =	vst v63  }
0x14: {  	_ =	swait.ge [sflag:s9], $0x200  }
0x15: {  	[sflag:s9] =	ssyncset.done $0x0  }
0x16: {  	[sflag:s9] =	ssyncadd.s32 $0xFFFFFE00  }
0x17: {  	[tilespmem:s10], [sflag:$0x2] =	stream.linear.gather [hbm4b:s6+s2], $0xA00, $0x38;
	[tilespmem:$0xDC00] =	vst v63  }
0x18: {  	_ =	swait.ge [sflag:s9], $0xA00  }
0x19: {  	[sflag:s9] =	ssyncset.done $0x0  }
0x1a: {  	[sflag:s9] =	ssyncadd.s32 $0xFFFFF600  }
0x1b: {  	[tilespmem:s12], [sflag:$0x1] =	stream.indirect.gather [hbm4b:s3+s11], $0x10, s2, s11, $0xb8;
	[tilespmem:$0xDC00] =	vst v63  }
0x1c: {  	s22 =	simm.s32 $0x1400  }
0x1d: {  	[tilespmem:s22], [sflag:$0x1] =	stream.indirect.gather [hbm4b:s3+s11], $0x10, s11, s11, $0xb8;
	[tilespmem:$0xDC00] =	vst v63  }
0x1e: {  	s23 =	simm.s32 $0x1C00;
	s22 =	simm.s32 $0x100  }
0x1f: {  	[tilespmem:s23], [sflag:$0x1] =	stream.indirect.gather [hbm4b:s3+s11], $0x10, s22, s11, $0xb8;
	[tilespmem:$0xDC00] =	vst v63  }
0x20: {  	s22 =	simm.s32 $0x180;
	s23 =	simm.s32 $0x2400  }
0x21: {  	[tilespmem:s23], [sflag:$0x1] =	stream.indirect.gather [hbm4b:s3+s11], $0x10, s22, s11, $0xb8;
	[tilespmem:$0xDC00] =	vst v63  }
0x22: {  	_ = 	snop  }
0x23: {  	[tilespmem:s18], [sflag:$0x1] =	stream.indirect.gather [hbm4b:s4+s11], $0x10, s10, s11, $0xb8;
	[tilespmem:$0xDC00] =	vst v63  }
0x24: {  	s22 =	simm.s32 $0x280;
	s23 =	simm.s32 $0x3400  }
0x25: {  	[tilespmem:s23], [sflag:$0x1] =	stream.indirect.gather [hbm4b:s4+s11], $0x10, s22, s11, $0xb8;
	[tilespmem:$0xDC00] =	vst v63  }
0x26: {  	s22 =	simm.s32 $0x300;
	s23 =	simm.s32 $0x3C00  }
0x27: {  	[tilespmem:s23], [sflag:$0x1] =	stream.indirect.gather [hbm4b:s4+s11], $0x10, s22, s11, $0xb8;
	[tilespmem:$0xDC00] =	vst v63  }
0x28: {  	s22 =	simm.s32 $0x380;
	s23 =	simm.s32 $0x4400  }
0x29: {  	[tilespmem:s23], [sflag:$0x1] =	stream.indirect.gather [hbm4b:s4+s11], $0x10, s22, s11, $0xb8;
	[tilespmem:$0xDC00] =	vst v63  }
0x2a: {  	s22 =	simm.s32 $0x400;
	s23 =	simm.s32 $0x4C00  }
0x2b: {  	[tilespmem:s23], [sflag:$0x1] =	stream.indirect.gather [hbm4b:s4+s11], $0x10, s22, s11, $0xb8;
	[tilespmem:$0xDC00] =	vst v63  }
0x2c: {  	s22 =	simm.s32 $0x480;
	s23 =	simm.s32 $0x5400  }
0x2d: {  	[tilespmem:s23], [sflag:$0x1] =	stream.indirect.gather [hbm4b:s4+s11], $0x10, s22, s11, $0xb8;
	[tilespmem:$0xDC00] =	vst v63  }
0x2e: {  	s22 =	simm.s32 $0x500;
	s23 =	simm.s32 $0x5C00  }
0x2f: {  	[tilespmem:s23], [sflag:$0x1] =	stream.indirect.gather [hbm4b:s4+s11], $0x10, s22, s11, $0xb8;
	[tilespmem:$0xDC00] =	vst v63  }
0x30: {  	s22 =	simm.s32 $0x580;
	s23 =	simm.s32 $0x6400  }
0x31: {  	[tilespmem:s23], [sflag:$0x1] =	stream.indirect.gather [hbm4b:s4+s11], $0x10, s22, s11, $0xb8;
	[tilespmem:$0xDC00] =	vst v63  }
0x32: {  	s22 =	simm.s32 $0x600;
	s23 =	simm.s32 $0x6C00  }
0x33: {  	[tilespmem:s23], [sflag:$0x1] =	stream.indirect.gather [hbm4b:s4+s11], $0x10, s22, s11, $0xb8;
	[tilespmem:$0xDC00] =	vst v63  }
0x34: {  	s22 =	simm.s32 $0x680;
	s23 =	simm.s32 $0x7400  }
0x35: {  	[tilespmem:s23], [sflag:$0x1] =	stream.indirect.gather [hbm4b:s4+s11], $0x10, s22, s11, $0xb8;
	[tilespmem:$0xDC00] =	vst v63  }
0x36: {  	s22 =	simm.s32 $0x700;
	s23 =	simm.s32 $0x7C00  }
0x37: {  	[tilespmem:s23], [sflag:$0x1] =	stream.indirect.gather [hbm4b:s4+s11], $0x10, s22, s11, $0xb8;
	[tilespmem:$0xDC00] =	vst v63  }
0x38: {  	s22 =	simm.s32 $0x780;
	s23 =	simm.s32 $0x8400  }
0x39: {  	[tilespmem:s23], [sflag:$0x1] =	stream.indirect.gather [hbm4b:s4+s11], $0x10, s22, s11, $0xb8;
	[tilespmem:$0xDC00] =	vst v63  }
0x3a: {  	s22 =	simm.s32 $0x800;
	s23 =	simm.s32 $0x8C00  }
0x3b: {  	[tilespmem:s23], [sflag:$0x1] =	stream.indirect.gather [hbm4b:s4+s11], $0x10, s22, s11, $0xb8;
	[tilespmem:$0xDC00] =	vst v63  }
0x3c: {  	_ = 	snop  }
0x3d: {  	[tilespmem:s25], [sflag:$0x1] =	stream.indirect.gather [hbm4b:s4+s11], $0x10, s24, s11, $0xb8;
	[tilespmem:$0xDC00] =	vst v63  }
0x3e: {  	_ = 	snop  }
0x3f: {  	[tilespmem:s28], [sflag:$0x1] =	stream.indirect.gather [hbm4b:s4+s11], $0x10, s26, s11, $0xb8;
	[tilespmem:$0xDC00] =	vst v63  }
0x40: {  	_ = 	snop  }
0x41: {  	[tilespmem:s30], [sflag:$0x1] =	stream.indirect.gather [hbm4b:s4+s11], $0x10, s29, s11, $0xb8;
	[tilespmem:$0xDC00] =	vst v63  }
0x42: {  	_ = 	snop  }
0x43: {  	[tilespmem:s0], [sflag:$0x1] =	stream.indirect.gather [hbm4b:s4+s11], $0x10, s31, s11, $0xb8;
	[tilespmem:$0xDC00] =	vst v63  }
0x44: {  	_ = 	snop  }
0x45: {  	[tilespmem:s13], [sflag:$0x1] =	stream.indirect.gather [hbm4b:s4+s11], $0x10, s1, s11, $0xb8;
	[tilespmem:$0xDC00] =	vst v63  }
0x46: {  	_ = 	snop  }
0x47: {  	[tilespmem:s15], [sflag:$0x1] =	stream.indirect.gather [hbm4b:s4+s11], $0x10, s14, s11, $0xb8;
	[tilespmem:$0xDC00] =	vst v63  }
0x48: {  	_ = 	snop  }
0x49: {  	[tilespmem:s17], [sflag:$0x1] =	stream.indirect.gather [hbm4b:s4+s11], $0x10, s16, s11, $0xb8;
	[tilespmem:$0xDC00] =	vst v63  }
0x4a: {  	_ =	swait.ge [sflag:s19], $0x800  }
0x4b: {  	[sflag:s19] =	ssyncset.done $0x0  }
0x4c: {  	[sflag:s19] =	ssyncadd.s32 $0xFFFFF800  }
0x4d: {  	_ =	swait.ge [sflag:s19], $0x800  }
0x4e: {  	[sflag:s19] =	ssyncset.done $0x0  }
0x4f: {  	[sflag:s19] =	ssyncadd.s32 $0xFFFFF800  }
0x50: {  	_ =	swait.ge [sflag:s19], $0x800  }
0x51: {  	[sflag:s19] =	ssyncset.done $0x0  }
0x52: {  	[sflag:s19] =	ssyncadd.s32 $0xFFFFF800  }
0x53: {  	_ =	swait.ge [sflag:s19], $0x800  }
0x54: {  	[sflag:s19] =	ssyncset.done $0x0  }
0x55: {  	[sflag:s19] =	ssyncadd.s32 $0xFFFFF800  }
0x56: {  	_ =	swait.ge [sflag:s19], $0x800  }
0x57: {  	[sflag:s19] =	ssyncset.done $0x0  }
0x58: {  	[sflag:s19] =	ssyncadd.s32 $0xFFFFF800  }
0x59: {  	_ =	swait.ge [sflag:s19], $0x800  }
0x5a: {  	[sflag:s19] =	ssyncset.done $0x0  }
0x5b: {  	[sflag:s19] =	ssyncadd.s32 $0xFFFFF800  }
0x5c: {  	_ =	swait.ge [sflag:s19], $0x800  }
0x5d: {  	[sflag:s19] =	ssyncset.done $0x0  }
0x5e: {  	[sflag:s19] =	ssyncadd.s32 $0xFFFFF800  }
0x5f: {  	_ =	swait.ge [sflag:s19], $0x800  }
0x60: {  	[sflag:s19] =	ssyncset.done $0x0  }
0x61: {  	[sflag:s19] =	ssyncadd.s32 $0xFFFFF800  }
0x62: {  	_ =	swait.ge [sflag:s19], $0x800  }
0x63: {  	[sflag:s19] =	ssyncset.done $0x0  }
0x64: {  	[sflag:s19] =	ssyncadd.s32 $0xFFFFF800  }
0x65: {  	_ =	swait.ge [sflag:s19], $0x800  }
0x66: {  	[sflag:s19] =	ssyncset.done $0x0  }
0x67: {  	[sflag:s19] =	ssyncadd.s32 $0xFFFFF800  }
0x68: {  	_ =	swait.ge [sflag:s19], $0x800  }
0x69: {  	[sflag:s19] =	ssyncset.done $0x0  }
0x6a: {  	[sflag:s19] =	ssyncadd.s32 $0xFFFFF800  }
0x6b: {  	_ =	swait.ge [sflag:s19], $0x800  }
0x6c: {  	[sflag:s19] =	ssyncset.done $0x0  }
0x6d: {  	[sflag:s19] =	ssyncadd.s32 $0xFFFFF800  }
0x6e: {  	_ =	swait.ge [sflag:s19], $0x800  }
0x6f: {  	[sflag:s19] =	ssyncset.done $0x0  }
0x70: {  	[sflag:s19] =	ssyncadd.s32 $0xFFFFF800  }
0x71: {  	_ =	swait.ge [sflag:s19], $0x800  }
0x72: {  	[sflag:s19] =	ssyncset.done $0x0  }
0x73: {  	[sflag:s19] =	ssyncadd.s32 $0xFFFFF800  }
0x74: {  	_ =	swait.ge [sflag:s19], $0x800  }
0x75: {  	[sflag:s19] =	ssyncset.done $0x0  }
0x76: {  	[sflag:s19] =	ssyncadd.s32 $0xFFFFF800  }
0x77: {  	_ =	swait.ge [sflag:s19], $0x800  }
0x78: {  	[sflag:s19] =	ssyncset.done $0x0  }
0x79: {  	[sflag:s19] =	ssyncadd.s32 $0xFFFFF800  }
0x7a: {  	_ =	swait.ge [sflag:s19], $0x800  }
0x7b: {  	[sflag:s19] =	ssyncset.done $0x0  }
0x7c: {  	[sflag:s19] =	ssyncadd.s32 $0xFFFFF800  }
0x7d: {  	_ =	swait.ge [sflag:s19], $0x800  }
0x7e: {  	[sflag:s19] =	ssyncset.done $0x0  }
0x7f: {  	[sflag:s19] =	ssyncadd.s32 $0xFFFFF800  }
0x80: {  	_ =	swait.ge [sflag:s19], $0x800  }
0x81: {  	[sflag:s19] =	ssyncset.done $0x0  }
0x82: {  	[sflag:s19] =	ssyncadd.s32 $0xFFFFF800  }
0x83: {  	_ =	swait.ge [sflag:s19], $0x800  }
0x84: {  	[sflag:s19] =	ssyncset.done $0x0  }
0x85: {  	[sflag:s19] =	ssyncadd.s32 $0xFFFFF800  }
0x86: {  	_ =	swait.ge [sflag:s19], $0x800  }
0x87: {  	[sflag:s19] =	ssyncset.done $0x0  }
0x88: {  	[sflag:s19] =	ssyncadd.s32 $0xFFFFF800  }
0x89: {  	_ =	swait.ge [sflag:s19], $0x800  }
0x8a: {  	[sflag:s19] =	ssyncset.done $0x0  }
0x8b: {  	[sflag:s19] =	ssyncadd.s32 $0xFFFFF800  }
0x8c: {  	v18 =	vor.u32 s2, v0;
	_ =	swait.ge [sflag:s19], $0x800  }
0x8d: {  	v15 =	vshll.u32 v18, $0x4;
	v1 =	vmul.u32 $0x50, v18;
	[sflag:s19] =	ssyncset.done $0x0  }
0x8e: {  	v3 =	vor.u32 $0x1, v15;
	[sflag:s19] =	ssyncadd.s32 $0xFFFFF800  }
0x8f: {  	v4 =	vor.u32 $0x1, v1;
	_ =	swait.ge [sflag:s19], $0x800  }
0x90: {  	[sflag:s19] =	ssyncset.done $0x0  }
0x91: {  	v5 =	vor.u32 $0x2, v15;
	[sflag:s19] =	ssyncadd.s32 $0xFFFFF800  }
0x92: {  	v6 =	vor.u32 $0x2, v1;
	v2 =	vld.idx.msk [tilespmem:v15+s12+$0x0], $0xffff  }
0x93: {  	v7 =	vor.u32 $0x3, v15;
	v3 =	vld.idx.msk [tilespmem:v3+s12+$0x0], $0xffff  }
0x94: {  	v8 =	vor.u32 $0x3, v1;
	v9 =	vld.idx.msk [tilespmem:v4+s18+$0x0], $0xffff  }
0x95: {  	v10 =	vor.u32 $0x4, v15;
	v11 =	vld.idx.msk [tilespmem:v1+s18+$0x0], $0xffff  }
0x96: {  	v12 =	vor.u32 $0x4, v1;
	v4 =	vld.idx.msk [tilespmem:v5+s12+$0x0], $0xffff  }
0x97: {  	v13 =	vor.u32 $0x5, v15;
	v14 =	vld.idx.msk [tilespmem:v6+s18+$0x0], $0xffff  }
0x98: {  	v16 =	vor.u32 $0x5, v1;
	v5 =	vld.idx.msk [tilespmem:v7+s12+$0x0], $0xffff  }
0x99: {  	v17 =	vor.u32 $0x6, v15;
	v19 =	vld.idx.msk [tilespmem:v8+s18+$0x0], $0xffff  }
0x9a: {  	v20 =	vor.u32 $0x6, v1;
	v6 =	vld.idx.msk [tilespmem:v10+s12+$0x0], $0xffff;
	v40 =	vmul.f32 v9, v3;
	v41 =	vmul.f32 v11, v2  }
0x9b: {  	v44 =	vor.u32 $0x7, v1;
	v43 =	vld.idx.msk [tilespmem:v12+s18+$0x0], $0xffff  }
0x9c: {  	v42 =	vor.u32 $0x7, v15;
	v7 =	vld.idx.msk [tilespmem:v13+s12+$0x0], $0xffff;
	v45 =	vmul.f32 v14, v4;
	v9 =	vadd.f32 v40, v41  }
0x9d: {  	v46 =	vor.u32 $0x8, v15;
	v16 =	vld.idx.msk [tilespmem:v16+s18+$0x0], $0xffff  }
0x9e: {  	v21 =	vor.u32 $0x8, v1;
	v8 =	vld.idx.msk [tilespmem:v17+s12+$0x0], $0xffff;
	v47 =	vmul.f32 v19, v5;
	v13 =	vadd.f32 v45, v9  }
0x9f: {  	v22 =	vor.u32 $0x9, v1;
	v20 =	vld.idx.msk [tilespmem:v20+s18+$0x0], $0xffff  }
0xa0: {  	v48 =	vor.u32 $0x9, v15;
	v23 =	vld.idx.msk [tilespmem:v44+s18+$0x0], $0xffff;
	v11 =	vmul.f32 v43, v6;
	v13 =	vadd.f32 v47, v13  }
0xa1: {  	v49 =	vor.u32 $0xA, v15;
	v9 =	vld.idx.msk [tilespmem:v42+s12+$0x0], $0xffff  }
0xa2: {  	v24 =	vor.u32 $0xA, v1;
	v10 =	vld.idx.msk [tilespmem:v46+s12+$0x0], $0xffff;
	v51 =	vmul.f32 v16, v7;
	v50 =	vadd.f32 v11, v13  }
0xa3: {  	v54 =	vor.u32 $0xB, v1;
	v53 =	vld.idx.msk [tilespmem:v21+s18+$0x0], $0xffff  }
0xa4: {  	v52 =	vor.u32 $0xB, v15;
	v22 =	vld.idx.msk [tilespmem:v22+s18+$0x0], $0xffff;
	v55 =	vmul.f32 v20, v8;
	v13 =	vadd.f32 v51, v50  }
0xa5: {  	v25 =	vor.u32 $0xC, v1;
	v11 =	vld.idx.msk [tilespmem:v48+s12+$0x0], $0xffff  }
0xa6: {  	v56 =	vor.u32 $0xC, v15;
	v12 =	vld.idx.msk [tilespmem:v49+s12+$0x0], $0xffff;
	v58 =	vmul.f32 v23, v9;
	v57 =	vadd.f32 v55, v13  }
0xa7: {  	v26 =	vor.u32 $0xD, v1;
	v24 =	vld.idx.msk [tilespmem:v24+s18+$0x0], $0xffff  }
0xa8: {  	v59 =	vor.u32 $0xD, v15;
	v21 =	vld.idx.msk [tilespmem:v54+s18+$0x0], $0xffff;
	v16 =	vmul.f32 v53, v10;
	v17 =	vadd.f32 v58, v57  }
0xa9: {  	v60 =	vor.u32 $0xE, v15;
	v13 =	vld.idx.msk [tilespmem:v52+s12+$0x0], $0xffff  }
0xaa: {  	v27 =	vor.u32 $0xE, v1;
	v25 =	vld.idx.msk [tilespmem:v25+s18+$0x0], $0xffff;
	v61 =	vmul.f32 v22, v11;
	v17 =	vadd.f32 v16, v17  }
0xab: {  	v28 =	vor.u32 $0xF, v1;
	v14 =	vld.idx.msk [tilespmem:v56+s12+$0x0], $0xffff  }
0xac: {  	v62 =	vor.u32 $0xF, v15;
	v63 =	vmul.f32 v24, v12;
	v24 =	vld.idx.msk [tilespmem:v26+s18+$0x0], $0xffff;
	v17 =	vadd.f32 v61, v17  }
0xad: {  	v16 =	vld.idx.msk [tilespmem:v59+s12+$0x0], $0xffff  }
0xae: {  	v15 =	vld.idx.msk [tilespmem:v60+s12+$0x0], $0xffff;
	v29 =	vmul.f32 v21, v13;
	v26 =	vadd.f32 v63, v17  }
0xaf: {  	v30 =	vld.idx.msk [tilespmem:v27+s18+$0x0], $0xffff  }
0xb0: {  	v32 =	vld.idx.msk [tilespmem:v28+s18+$0x0], $0xffff;
	v31 =	vmul.f32 v25, v14;
	v19 =	vadd.f32 v29, v26  }
0xb1: {  	v17 =	vld.idx.msk [tilespmem:v62+s12+$0x0], $0xffff  }
0xb2: {  	v33 =	vmul.f32 v24, v16;
	v19 =	vadd.f32 v31, v19;
	_ =	sdelay $0x1  }
0xb3: {  	v34 =	vmul.f32 v30, v15;
	v19 =	vadd.f32 v33, v19  }
0xb4: {  	v18 =	vshll.u32 v18, $0x3  }
0xb5: {  	v36 =	vadd.s32 $0x10, v1;
	v35 =	vmul.f32 v32, v17;
	v19 =	vadd.f32 v34, v19  }
0xb6: {  	v37 =	vadd.s32 $0x11, v1  }
0xb7: {  	v19 =	vadd.f32 v35, v19  }
0xb8: {  	v38 =	vadd.s32 $0x12, v1  }
0xb9: {  	[tilespmem:v18+s20+$0x0] =	vst.idx.msk $0xffff, v19  }
0xba: {  	v39 =	vadd.s32 $0x13, v1;
	v19 =	vld.idx.msk [tilespmem:v36+s18+$0x0], $0xffff  }
0xbb: {  	v22 =	vld.idx.msk [tilespmem:v37+s18+$0x0], $0xffff  }
0xbc: {  	v40 =	vadd.s32 $0x14, v1  }
0xbd: {  	v20 =	vld.idx.msk [tilespmem:v38+s18+$0x0], $0xffff  }
0xbe: {  	v41 =	vadd.s32 $0x15, v1  }
0xbf: {  	v21 =	vld.idx.msk [tilespmem:v39+s18+$0x0], $0xffff  }
0xc0: {  	v42 =	vadd.s32 $0x16, v1;
	v19 =	vmul.f32 v19, v2;
	v22 =	vmul.f32 v22, v3  }
0xc1: {  	v23 =	vld.idx.msk [tilespmem:v40+s18+$0x0], $0xffff  }
0xc2: {  	v43 =	vadd.s32 $0x17, v1;
	v20 =	vmul.f32 v20, v4;
	v19 =	vadd.f32 v22, v19  }
0xc3: {  	v44 =	vld.idx.msk [tilespmem:v41+s18+$0x0], $0xffff  }
0xc4: {  	v45 =	vadd.s32 $0x18, v1;
	v46 =	vmul.f32 v21, v5;
	v19 =	vadd.f32 v20, v19  }
0xc5: {  	v47 =	vld.idx.msk [tilespmem:v42+s18+$0x0], $0xffff  }
0xc6: {  	v48 =	vadd.s32 $0x19, v1;
	v49 =	vmul.f32 v23, v6;
	v19 =	vadd.f32 v46, v19  }
0xc7: {  	v50 =	vld.idx.msk [tilespmem:v43+s18+$0x0], $0xffff  }
0xc8: {  	v51 =	vadd.s32 $0x1A, v1;
	v52 =	vmul.f32 v44, v7;
	v19 =	vadd.f32 v49, v19  }
0xc9: {  	v53 =	vld.idx.msk [tilespmem:v45+s18+$0x0], $0xffff  }
0xca: {  	v54 =	vadd.s32 $0x1B, v1;
	v55 =	vmul.f32 v47, v8;
	v19 =	vadd.f32 v52, v19  }
0xcb: {  	v56 =	vld.idx.msk [tilespmem:v48+s18+$0x0], $0xffff  }
0xcc: {  	v57 =	vadd.s32 $0x1C, v1;
	v58 =	vmul.f32 v50, v9;
	v19 =	vadd.f32 v55, v19  }
0xcd: {  	v59 =	vld.idx.msk [tilespmem:v51+s18+$0x0], $0xffff  }
0xce: {  	v60 =	vadd.s32 $0x1D, v1;
	v61 =	vmul.f32 v53, v10;
	v19 =	vadd.f32 v58, v19  }
0xcf: {  	v62 =	vld.idx.msk [tilespmem:v54+s18+$0x0], $0xffff  }
0xd0: {  	v63 =	vadd.s32 $0x1E, v1;
	v28 =	vmul.f32 v56, v11;
	v19 =	vadd.f32 v61, v19  }
0xd1: {  	v29 =	vld.idx.msk [tilespmem:v57+s18+$0x0], $0xffff  }
0xd2: {  	v30 =	vadd.s32 $0x1F, v1;
	v31 =	vmul.f32 v59, v12;
	v19 =	vadd.f32 v28, v19  }
0xd3: {  	v32 =	vld.idx.msk [tilespmem:v60+s18+$0x0], $0xffff  }
0xd4: {  	v33 =	vmul.f32 v62, v13;
	v19 =	vadd.f32 v31, v19  }
0xd5: {  	v34 =	vld.idx.msk [tilespmem:v63+s18+$0x0], $0xffff  }
0xd6: {  	v35 =	vmul.f32 v29, v14;
	v19 =	vadd.f32 v33, v19  }
0xd7: {  	v36 =	vld.idx.msk [tilespmem:v30+s18+$0x0], $0xffff  }
0xd8: {  	v37 =	vmul.f32 v32, v16;
	v19 =	vadd.f32 v35, v19;
	_ =	sdelay $0x1  }
0xd9: {  	v38 =	vmul.f32 v34, v15;
	v19 =	vadd.f32 v37, v19  }
0xda: {  	v39 =	vor.u32 $0x1, v18  }
0xdb: {  	v41 =	vadd.s32 $0x20, v1;
	v40 =	vmul.f32 v36, v17;
	v19 =	vadd.f32 v38, v19  }
0xdc: {  	v42 =	vadd.s32 $0x21, v1  }
0xdd: {  	v19 =	vadd.f32 v40, v19  }
0xde: {  	v43 =	vadd.s32 $0x22, v1  }
0xdf: {  	[tilespmem:v39+s20+$0x0] =	vst.idx.msk $0xffff, v19  }
0xe0: {  	v44 =	vadd.s32 $0x23, v1;
	v19 =	vld.idx.msk [tilespmem:v41+s18+$0x0], $0xffff  }
0xe1: {  	v22 =	vld.idx.msk [tilespmem:v42+s18+$0x0], $0xffff  }
0xe2: {  	v45 =	vadd.s32 $0x24, v1  }
0xe3: {  	v20 =	vld.idx.msk [tilespmem:v43+s18+$0x0], $0xffff  }
0xe4: {  	v46 =	vadd.s32 $0x25, v1  }
0xe5: {  	v21 =	vld.idx.msk [tilespmem:v44+s18+$0x0], $0xffff  }
0xe6: {  	v47 =	vadd.s32 $0x26, v1;
	v19 =	vmul.f32 v19, v2;
	v22 =	vmul.f32 v22, v3  }
0xe7: {  	v23 =	vld.idx.msk [tilespmem:v45+s18+$0x0], $0xffff  }
0xe8: {  	v48 =	vadd.s32 $0x27, v1;
	v20 =	vmul.f32 v20, v4;
	v19 =	vadd.f32 v22, v19  }
0xe9: {  	v49 =	vld.idx.msk [tilespmem:v46+s18+$0x0], $0xffff  }
0xea: {  	v50 =	vadd.s32 $0x28, v1;
	v51 =	vmul.f32 v21, v5;
	v19 =	vadd.f32 v20, v19  }
0xeb: {  	v52 =	vld.idx.msk [tilespmem:v47+s18+$0x0], $0xffff  }
0xec: {  	v53 =	vadd.s32 $0x29, v1;
	v54 =	vmul.f32 v23, v6;
	v19 =	vadd.f32 v51, v19  }
0xed: {  	v55 =	vld.idx.msk [tilespmem:v48+s18+$0x0], $0xffff  }
0xee: {  	v56 =	vadd.s32 $0x2A, v1;
	v57 =	vmul.f32 v49, v7;
	v19 =	vadd.f32 v54, v19  }
0xef: {  	v58 =	vld.idx.msk [tilespmem:v50+s18+$0x0], $0xffff  }
0xf0: {  	v59 =	vadd.s32 $0x2B, v1;
	v60 =	vmul.f32 v52, v8;
	v19 =	vadd.f32 v57, v19  }
0xf1: {  	v61 =	vld.idx.msk [tilespmem:v53+s18+$0x0], $0xffff  }
0xf2: {  	v62 =	vadd.s32 $0x2C, v1;
	v63 =	vmul.f32 v55, v9;
	v19 =	vadd.f32 v60, v19  }
0xf3: {  	v28 =	vld.idx.msk [tilespmem:v56+s18+$0x0], $0xffff  }
0xf4: {  	v29 =	vadd.s32 $0x2D, v1;
	v30 =	vmul.f32 v58, v10;
	v19 =	vadd.f32 v63, v19  }
0xf5: {  	v31 =	vld.idx.msk [tilespmem:v59+s18+$0x0], $0xffff  }
0xf6: {  	v32 =	vadd.s32 $0x2E, v1;
	v33 =	vmul.f32 v61, v11;
	v19 =	vadd.f32 v30, v19  }
0xf7: {  	v34 =	vld.idx.msk [tilespmem:v62+s18+$0x0], $0xffff  }
0xf8: {  	v35 =	vadd.s32 $0x2F, v1;
	v36 =	vmul.f32 v28, v12;
	v19 =	vadd.f32 v33, v19  }
0xf9: {  	v37 =	vld.idx.msk [tilespmem:v29+s18+$0x0], $0xffff  }
0xfa: {  	v38 =	vmul.f32 v31, v13;
	v19 =	vadd.f32 v36, v19  }
0xfb: {  	v39 =	vld.idx.msk [tilespmem:v32+s18+$0x0], $0xffff  }
0xfc: {  	v40 =	vmul.f32 v34, v14;
	v19 =	vadd.f32 v38, v19  }
0xfd: {  	v41 =	vld.idx.msk [tilespmem:v35+s18+$0x0], $0xffff  }
0xfe: {  	v42 =	vmul.f32 v37, v16;
	v19 =	vadd.f32 v40, v19;
	_ =	sdelay $0x1  }
0xff: {  	v43 =	vmul.f32 v39, v15;
	v19 =	vadd.f32 v42, v19  }
0x100: {  	v44 =	vor.u32 $0x2, v18  }
0x101: {  	v46 =	vadd.s32 $0x30, v1;
	v45 =	vmul.f32 v41, v17;
	v19 =	vadd.f32 v43, v19  }
0x102: {  	v47 =	vadd.s32 $0x31, v1  }
0x103: {  	v19 =	vadd.f32 v45, v19  }
0x104: {  	v48 =	vadd.s32 $0x32, v1  }
0x105: {  	[tilespmem:v44+s20+$0x0] =	vst.idx.msk $0xffff, v19  }
0x106: {  	v49 =	vadd.s32 $0x33, v1;
	v21 =	vld.idx.msk [tilespmem:v46+s18+$0x0], $0xffff  }
0x107: {  	v22 =	vld.idx.msk [tilespmem:v47+s18+$0x0], $0xffff  }
0x108: {  	v50 =	vadd.s32 $0x34, v1  }
0x109: {  	v20 =	vld.idx.msk [tilespmem:v48+s18+$0x0], $0xffff  }
0x10a: {  	v51 =	vadd.s32 $0x35, v1  }
0x10b: {  	v19 =	vld.idx.msk [tilespmem:v49+s18+$0x0], $0xffff  }
0x10c: {  	v52 =	vadd.s32 $0x36, v1;
	v21 =	vmul.f32 v21, v2;
	v22 =	vmul.f32 v22, v3  }
0x10d: {  	v23 =	vld.idx.msk [tilespmem:v50+s18+$0x0], $0xffff  }
0x10e: {  	v53 =	vadd.s32 $0x37, v1;
	v20 =	vmul.f32 v20, v4;
	v21 =	vadd.f32 v22, v21  }
0x10f: {  	v54 =	vld.idx.msk [tilespmem:v51+s18+$0x0], $0xffff  }
0x110: {  	v55 =	vadd.s32 $0x38, v1;
	v19 =	vmul.f32 v19, v5;
	v20 =	vadd.f32 v20, v21  }
0x111: {  	v56 =	vld.idx.msk [tilespmem:v52+s18+$0x0], $0xffff  }
0x112: {  	v57 =	vadd.s32 $0x39, v1;
	v58 =	vmul.f32 v23, v6;
	v19 =	vadd.f32 v19, v20  }
0x113: {  	v59 =	vld.idx.msk [tilespmem:v53+s18+$0x0], $0xffff  }
0x114: {  	v60 =	vadd.s32 $0x3A, v1;
	v61 =	vmul.f32 v54, v7;
	v19 =	vadd.f32 v58, v19  }
0x115: {  	v62 =	vld.idx.msk [tilespmem:v55+s18+$0x0], $0xffff  }
0x116: {  	v63 =	vadd.s32 $0x3B, v1;
	v28 =	vmul.f32 v56, v8;
	v19 =	vadd.f32 v61, v19  }
0x117: {  	v29 =	vld.idx.msk [tilespmem:v57+s18+$0x0], $0xffff  }
0x118: {  	v30 =	vadd.s32 $0x3C, v1;
	v31 =	vmul.f32 v59, v9;
	v19 =	vadd.f32 v28, v19  }
0x119: {  	v32 =	vld.idx.msk [tilespmem:v60+s18+$0x0], $0xffff  }
0x11a: {  	v33 =	vadd.s32 $0x3D, v1;
	v34 =	vmul.f32 v62, v10;
	v19 =	vadd.f32 v31, v19  }
0x11b: {  	v35 =	vld.idx.msk [tilespmem:v63+s18+$0x0], $0xffff  }
0x11c: {  	v36 =	vadd.s32 $0x3E, v1;
	v37 =	vmul.f32 v29, v11;
	v19 =	vadd.f32 v34, v19  }
0x11d: {  	v38 =	vld.idx.msk [tilespmem:v30+s18+$0x0], $0xffff  }
0x11e: {  	v39 =	vadd.s32 $0x3F, v1;
	v40 =	vmul.f32 v32, v12;
	v19 =	vadd.f32 v37, v19  }
0x11f: {  	v41 =	vld.idx.msk [tilespmem:v33+s18+$0x0], $0xffff  }
0x120: {  	v42 =	vmul.f32 v35, v13;
	v19 =	vadd.f32 v40, v19  }
0x121: {  	v43 =	vld.idx.msk [tilespmem:v36+s18+$0x0], $0xffff  }
0x122: {  	v44 =	vmul.f32 v38, v14;
	v19 =	vadd.f32 v42, v19  }
0x123: {  	v45 =	vld.idx.msk [tilespmem:v39+s18+$0x0], $0xffff  }
0x124: {  	v46 =	vmul.f32 v41, v16;
	v19 =	vadd.f32 v44, v19;
	_ =	sdelay $0x1  }
0x125: {  	v47 =	vmul.f32 v43, v15;
	v19 =	vadd.f32 v46, v19  }
0x126: {  	v48 =	vor.u32 $0x3, v18  }
0x127: {  	v50 =	vadd.s32 $0x40, v1;
	v49 =	vmul.f32 v45, v17;
	v19 =	vadd.f32 v47, v19  }
0x128: {  	v51 =	vadd.s32 $0x41, v1  }
0x129: {  	v19 =	vadd.f32 v49, v19  }
0x12a: {  	v52 =	vadd.s32 $0x42, v1  }
0x12b: {  	[tilespmem:v48+s20+$0x0] =	vst.idx.msk $0xffff, v19  }
0x12c: {  	v53 =	vadd.s32 $0x43, v1;
	v21 =	vld.idx.msk [tilespmem:v50+s18+$0x0], $0xffff  }
0x12d: {  	v22 =	vld.idx.msk [tilespmem:v51+s18+$0x0], $0xffff  }
0x12e: {  	v54 =	vadd.s32 $0x44, v1  }
0x12f: {  	v20 =	vld.idx.msk [tilespmem:v52+s18+$0x0], $0xffff  }
0x130: {  	v55 =	vadd.s32 $0x45, v1  }
0x131: {  	v19 =	vld.idx.msk [tilespmem:v53+s18+$0x0], $0xffff  }
0x132: {  	v56 =	vadd.s32 $0x46, v1;
	v2 =	vmul.f32 v21, v2;
	v3 =	vmul.f32 v22, v3  }
0x133: {  	v57 =	vld.idx.msk [tilespmem:v54+s18+$0x0], $0xffff  }
0x134: {  	v58 =	vadd.s32 $0x47, v1;
	v4 =	vmul.f32 v20, v4;
	v2 =	vadd.f32 v3, v2  }
0x135: {  	v3 =	vld.idx.msk [tilespmem:v55+s18+$0x0], $0xffff  }
0x136: {  	v59 =	vadd.s32 $0x48, v1;
	v5 =	vmul.f32 v19, v5;
	v2 =	vadd.f32 v4, v2  }
0x137: {  	v4 =	vld.idx.msk [tilespmem:v56+s18+$0x0], $0xffff  }
0x138: {  	v60 =	vadd.s32 $0x49, v1;
	v6 =	vmul.f32 v57, v6;
	v2 =	vadd.f32 v5, v2  }
0x139: {  	v5 =	vld.idx.msk [tilespmem:v58+s18+$0x0], $0xffff  }
0x13a: {  	v61 =	vadd.s32 $0x4A, v1;
	v3 =	vmul.f32 v3, v7;
	v2 =	vadd.f32 v6, v2  }
0x13b: {  	v6 =	vld.idx.msk [tilespmem:v59+s18+$0x0], $0xffff  }
0x13c: {  	v7 =	vadd.s32 $0x4B, v1;
	v4 =	vmul.f32 v4, v8;
	v2 =	vadd.f32 v3, v2  }
0x13d: {  	v3 =	vld.idx.msk [tilespmem:v60+s18+$0x0], $0xffff  }
0x13e: {  	v62 =	vadd.s32 $0x4C, v1;
	v5 =	vmul.f32 v5, v9;
	v2 =	vadd.f32 v4, v2  }
0x13f: {  	v4 =	vld.idx.msk [tilespmem:v61+s18+$0x0], $0xffff  }
0x140: {  	v63 =	vadd.s32 $0x4D, v1;
	v6 =	vmul.f32 v6, v10;
	v2 =	vadd.f32 v5, v2  }
0x141: {  	v7 =	vld.idx.msk [tilespmem:v7+s18+$0x0], $0xffff;
	v5 =	vadd.s32 $0x4F, v1  }
0x142: {  	v1 =	vadd.s32 $0x4E, v1;
	v3 =	vmul.f32 v3, v11;
	v2 =	vadd.f32 v6, v2  }
0x143: {  	v6 =	vld.idx.msk [tilespmem:v62+s18+$0x0], $0xffff  }
0x144: {  	v4 =	vmul.f32 v4, v12;
	v2 =	vadd.f32 v3, v2  }
0x145: {  	v3 =	vld.idx.msk [tilespmem:v63+s18+$0x0], $0xffff  }
0x146: {  	v7 =	vmul.f32 v7, v13;
	v5 =	vld.idx.msk [tilespmem:v5+s18+$0x0], $0xffff;
	v2 =	vadd.f32 v4, v2  }
0x147: {  	v1 =	vld.idx.msk [tilespmem:v1+s18+$0x0], $0xffff  }
0x148: {  	v4 =	vmul.f32 v6, v14;
	v2 =	vadd.f32 v7, v2;
	_ =	sdelay $0x1  }
0x149: {  	v3 =	vmul.f32 v3, v16;
	v6 =	vadd.f32 v4, v2  }
0x14a: {  	v2 =	vmul.f32 v5, v17  }
0x14b: {  	s22 =	simm.s32 $0x10;
	s23 =	simm.s32 $0x20;
	v4 =	vmul.f32 v1, v15;
	v5 =	vadd.f32 v3, v6;
	v3 =	vor.u32 $0x4, v18  }
.LBB2_2:
0x14c: {  	p0 =	sne.s32 s23, $0x1F0;
	v17 =	vor.u32 s22, v0;
	s22 =	smov.u32 s23;
	s23 =	sadd.s32 $0x10, s23  }
0x14d: {  	v6 =	vshll.u32 v17, $0x4;
	v1 =	vmul.u32 $0x50, v17;
	v4 =	vadd.f32 v4, v5  }
0x14e: {  	v5 =	vor.u32 $0x1, v6;
	v7 =	vor.u32 $0x2, v6;
	v8 =	vor.u32 $0x3, v6  }
0x14f: {  	v9 =	vor.u32 $0x1, v1;
	v10 =	vor.u32 $0x2, v1;
	v2 =	vadd.f32 v2, v4  }
0x150: {  	v11 =	vor.u32 $0x4, v6;
	v12 =	vor.u32 $0x3, v1;
	v13 =	vor.u32 $0x4, v1  }
0x151: {  	v14 =	vor.u32 $0x5, v6;
	v15 =	vor.u32 $0x5, v1;
	v16 =	vor.u32 $0x6, v1;
	[tilespmem:v3+s20+$0x0] =	vst.idx.msk $0xffff, v2  }
0x152: {  	v18 =	vor.u32 $0x6, v6;
	v19 =	vor.u32 $0x7, v6;
	v20 =	vor.u32 $0x7, v1;
	v2 =	vld.idx.msk [tilespmem:v6+s12+$0x0], $0xffff  }
0x153: {  	v21 =	vor.u32 $0x8, v6;
	v22 =	vor.u32 $0x8, v1;
	v23 =	vor.u32 $0x9, v1;
	v3 =	vld.idx.msk [tilespmem:v5+s12+$0x0], $0xffff  }
0x154: {  	v24 =	vor.u32 $0x9, v6;
	v25 =	vor.u32 $0xA, v6;
	v26 =	vor.u32 $0xA, v1;
	v9 =	vld.idx.msk [tilespmem:v9+s18+$0x0], $0xffff  }
0x155: {  	v27 =	vor.u32 $0xB, v6;
	v29 =	vor.u32 $0xB, v1;
	v30 =	vor.u32 $0xC, v1;
	v28 =	vld.idx.msk [tilespmem:v1+s18+$0x0], $0xffff  }
0x156: {  	v31 =	vor.u32 $0xC, v6;
	v32 =	vor.u32 $0xD, v6;
	v33 =	vor.u32 $0xD, v1;
	v4 =	vld.idx.msk [tilespmem:v7+s12+$0x0], $0xffff  }
0x157: {  	v34 =	vor.u32 $0xE, v6;
	v35 =	vor.u32 $0xE, v1;
	v36 =	vor.u32 $0xF, v1;
	v7 =	vld.idx.msk [tilespmem:v10+s18+$0x0], $0xffff  }
0x158: {  	v37 =	vor.u32 $0xF, v6;
	v8 =	vld.idx.msk [tilespmem:v8+s12+$0x0], $0xffff  }
0x159: {  	v10 =	vld.idx.msk [tilespmem:v12+s18+$0x0], $0xffff  }
0x15a: {  	v9 =	vmul.f32 v9, v3;
	v5 =	vld.idx.msk [tilespmem:v11+s12+$0x0], $0xffff  }
0x15b: {  	v11 =	vmul.f32 v28, v2;
	v12 =	vld.idx.msk [tilespmem:v13+s18+$0x0], $0xffff  }
0x15c: {  	v6 =	vld.idx.msk [tilespmem:v14+s12+$0x0], $0xffff  }
0x15d: {  	v9 =	vadd.f32 v9, v11;
	v11 =	vmul.f32 v7, v4;
	v13 =	vld.idx.msk [tilespmem:v15+s18+$0x0], $0xffff  }
0x15e: {  	v7 =	vld.idx.msk [tilespmem:v18+s12+$0x0], $0xffff  }
0x15f: {  	v11 =	vadd.f32 v11, v9;
	v10 =	vmul.f32 v10, v8;
	v14 =	vld.idx.msk [tilespmem:v16+s18+$0x0], $0xffff  }
0x160: {  	v9 =	vld.idx.msk [tilespmem:v19+s12+$0x0], $0xffff  }
0x161: {  	v11 =	vadd.f32 v10, v11;
	v12 =	vmul.f32 v12, v5;
	v15 =	vld.idx.msk [tilespmem:v20+s18+$0x0], $0xffff  }
0x162: {  	v10 =	vld.idx.msk [tilespmem:v21+s12+$0x0], $0xffff  }
0x163: {  	v12 =	vadd.f32 v12, v11;
	v13 =	vmul.f32 v13, v6;
	v16 =	vld.idx.msk [tilespmem:v22+s18+$0x0], $0xffff  }
0x164: {  	v11 =	vld.idx.msk [tilespmem:v24+s12+$0x0], $0xffff  }
0x165: {  	v13 =	vadd.f32 v13, v12;
	v14 =	vmul.f32 v14, v7;
	v18 =	vld.idx.msk [tilespmem:v23+s18+$0x0], $0xffff  }
0x166: {  	v12 =	vld.idx.msk [tilespmem:v25+s12+$0x0], $0xffff  }
0x167: {  	v14 =	vadd.f32 v14, v13;
	v15 =	vmul.f32 v15, v9;
	v19 =	vld.idx.msk [tilespmem:v26+s18+$0x0], $0xffff  }
0x168: {  	v13 =	vld.idx.msk [tilespmem:v27+s12+$0x0], $0xffff  }
0x169: {  	v15 =	vadd.f32 v15, v14;
	v16 =	vmul.f32 v16, v10;
	v20 =	vld.idx.msk [tilespmem:v29+s18+$0x0], $0xffff  }
0x16a: {  	v14 =	vld.idx.msk [tilespmem:v31+s12+$0x0], $0xffff  }
0x16b: {  	v16 =	vadd.f32 v16, v15;
	v18 =	vmul.f32 v18, v11;
	v21 =	vld.idx.msk [tilespmem:v30+s18+$0x0], $0xffff  }
0x16c: {  	v15 =	vld.idx.msk [tilespmem:v32+s12+$0x0], $0xffff  }
0x16d: {  	v18 =	vadd.f32 v18, v16;
	v19 =	vmul.f32 v19, v12;
	v22 =	vld.idx.msk [tilespmem:v33+s18+$0x0], $0xffff  }
0x16e: {  	v16 =	vld.idx.msk [tilespmem:v34+s12+$0x0], $0xffff  }
0x16f: {  	v19 =	vadd.f32 v19, v18;
	v20 =	vmul.f32 v20, v13;
	v23 =	vld.idx.msk [tilespmem:v35+s18+$0x0], $0xffff  }
0x170: {  	v18 =	vld.idx.msk [tilespmem:v37+s12+$0x0], $0xffff  }
0x171: {  	v19 =	vadd.f32 v20, v19;
	v20 =	vmul.f32 v21, v14;
	v21 =	vld.idx.msk [tilespmem:v36+s18+$0x0], $0xffff;
	_ =	sdelay $0x1  }
0x172: {  	v19 =	vadd.f32 v20, v19;
	v20 =	vmul.f32 v22, v15;
	_ =	sdelay $0x1  }
0x173: {  	v19 =	vadd.f32 v20, v19;
	v20 =	vmul.f32 v23, v16  }
0x174: {  	v17 =	vshll.u32 v17, $0x3  }
0x175: {  	v19 =	vadd.f32 v20, v19;
	v20 =	vmul.f32 v21, v18;
	v21 =	vadd.s32 $0x10, v1  }
0x176: {  	v22 =	vadd.s32 $0x11, v1  }
0x177: {  	v19 =	vadd.f32 v20, v19  }
0x178: {  	v20 =	vadd.s32 $0x12, v1  }
0x179: {  	[tilespmem:v17+s20+$0x0] =	vst.idx.msk $0xffff, v19  }
0x17a: {  	v19 =	vld.idx.msk [tilespmem:v21+s18+$0x0], $0xffff;
	v21 =	vadd.s32 $0x13, v1  }
0x17b: {  	v22 =	vld.idx.msk [tilespmem:v22+s18+$0x0], $0xffff  }
0x17c: {  	v23 =	vadd.s32 $0x14, v1  }
0x17d: {  	v20 =	vld.idx.msk [tilespmem:v20+s18+$0x0], $0xffff  }
0x17e: {  	v24 =	vadd.s32 $0x15, v1  }
0x17f: {  	v21 =	vld.idx.msk [tilespmem:v21+s18+$0x0], $0xffff  }
0x180: {  	v25 =	vadd.s32 $0x16, v1  }
0x181: {  	v19 =	vmul.f32 v19, v2;
	v22 =	vmul.f32 v22, v3;
	v23 =	vld.idx.msk [tilespmem:v23+s18+$0x0], $0xffff  }
0x182: {  	v26 =	vadd.s32 $0x17, v1  }
0x183: {  	v19 =	vadd.f32 v22, v19;
	v20 =	vmul.f32 v20, v4;
	v22 =	vld.idx.msk [tilespmem:v24+s18+$0x0], $0xffff  }
0x184: {  	v24 =	vadd.s32 $0x18, v1  }
0x185: {  	v19 =	vadd.f32 v20, v19;
	v20 =	vmul.f32 v21, v8;
	v21 =	vld.idx.msk [tilespmem:v25+s18+$0x0], $0xffff  }
0x186: {  	v25 =	vadd.s32 $0x19, v1  }
0x187: {  	v19 =	vadd.f32 v20, v19;
	v20 =	vmul.f32 v23, v5;
	v23 =	vld.idx.msk [tilespmem:v26+s18+$0x0], $0xffff  }
0x188: {  	v26 =	vadd.s32 $0x1A, v1  }
0x189: {  	v19 =	vadd.f32 v20, v19;
	v20 =	vmul.f32 v22, v6;
	v22 =	vld.idx.msk [tilespmem:v24+s18+$0x0], $0xffff  }
0x18a: {  	v24 =	vadd.s32 $0x1B, v1  }
0x18b: {  	v19 =	vadd.f32 v20, v19;
	v20 =	vmul.f32 v21, v7;
	v21 =	vld.idx.msk [tilespmem:v25+s18+$0x0], $0xffff  }
0x18c: {  	v25 =	vadd.s32 $0x1C, v1  }
0x18d: {  	v19 =	vadd.f32 v20, v19;
	v20 =	vmul.f32 v23, v9;
	v23 =	vld.idx.msk [tilespmem:v26+s18+$0x0], $0xffff  }
0x18e: {  	v26 =	vadd.s32 $0x1D, v1  }
0x18f: {  	v19 =	vadd.f32 v20, v19;
	v20 =	vmul.f32 v22, v10;
	v22 =	vld.idx.msk [tilespmem:v24+s18+$0x0], $0xffff  }
0x190: {  	v24 =	vadd.s32 $0x1E, v1  }
0x191: {  	v19 =	vadd.f32 v20, v19;
	v20 =	vmul.f32 v21, v11;
	v21 =	vld.idx.msk [tilespmem:v25+s18+$0x0], $0xffff  }
0x192: {  	v25 =	vadd.s32 $0x1F, v1  }
0x193: {  	v19 =	vadd.f32 v20, v19;
	v20 =	vmul.f32 v23, v12;
	v23 =	vld.idx.msk [tilespmem:v26+s18+$0x0], $0xffff;
	_ =	sdelay $0x1  }
0x194: {  	v19 =	vadd.f32 v20, v19;
	v20 =	vmul.f32 v22, v13;
	v22 =	vld.idx.msk [tilespmem:v24+s18+$0x0], $0xffff;
	_ =	sdelay $0x1  }
0x195: {  	v19 =	vadd.f32 v20, v19;
	v20 =	vmul.f32 v21, v14;
	v21 =	vld.idx.msk [tilespmem:v25+s18+$0x0], $0xffff;
	_ =	sdelay $0x1  }
0x196: {  	v19 =	vadd.f32 v20, v19;
	v20 =	vmul.f32 v23, v15;
	_ =	sdelay $0x1  }
0x197: {  	v19 =	vadd.f32 v20, v19;
	v20 =	vmul.f32 v22, v16  }
0x198: {  	v22 =	vor.u32 $0x1, v17  }
0x199: {  	v19 =	vadd.f32 v20, v19;
	v20 =	vmul.f32 v21, v18;
	v21 =	vadd.s32 $0x20, v1  }
0x19a: {  	v23 =	vadd.s32 $0x21, v1  }
0x19b: {  	v19 =	vadd.f32 v20, v19  }
0x19c: {  	v20 =	vadd.s32 $0x22, v1  }
0x19d: {  	[tilespmem:v22+s20+$0x0] =	vst.idx.msk $0xffff, v19  }
0x19e: {  	v19 =	vld.idx.msk [tilespmem:v21+s18+$0x0], $0xffff;
	v21 =	vadd.s32 $0x23, v1  }
0x19f: {  	v22 =	vld.idx.msk [tilespmem:v23+s18+$0x0], $0xffff  }
0x1a0: {  	v23 =	vadd.s32 $0x24, v1  }
0x1a1: {  	v20 =	vld.idx.msk [tilespmem:v20+s18+$0x0], $0xffff  }
0x1a2: {  	v24 =	vadd.s32 $0x25, v1  }
0x1a3: {  	v21 =	vld.idx.msk [tilespmem:v21+s18+$0x0], $0xffff  }
0x1a4: {  	v25 =	vadd.s32 $0x26, v1;
	v19 =	vmul.f32 v19, v2  }
0x1a5: {  	v22 =	vmul.f32 v22, v3;
	v23 =	vld.idx.msk [tilespmem:v23+s18+$0x0], $0xffff  }
0x1a6: {  	v26 =	vadd.s32 $0x27, v1  }
0x1a7: {  	v19 =	vadd.f32 v22, v19;
	v20 =	vmul.f32 v20, v4;
	v22 =	vld.idx.msk [tilespmem:v24+s18+$0x0], $0xffff  }
0x1a8: {  	v24 =	vadd.s32 $0x28, v1  }
0x1a9: {  	v19 =	vadd.f32 v20, v19;
	v20 =	vmul.f32 v21, v8;
	v21 =	vld.idx.msk [tilespmem:v25+s18+$0x0], $0xffff  }
0x1aa: {  	v25 =	vadd.s32 $0x29, v1  }
0x1ab: {  	v19 =	vadd.f32 v20, v19;
	v20 =	vmul.f32 v23, v5;
	v23 =	vld.idx.msk [tilespmem:v26+s18+$0x0], $0xffff  }
0x1ac: {  	v26 =	vadd.s32 $0x2A, v1  }
0x1ad: {  	v19 =	vadd.f32 v20, v19;
	v20 =	vmul.f32 v22, v6;
	v22 =	vld.idx.msk [tilespmem:v24+s18+$0x0], $0xffff  }
0x1ae: {  	v24 =	vadd.s32 $0x2B, v1  }
0x1af: {  	v19 =	vadd.f32 v20, v19;
	v20 =	vmul.f32 v21, v7;
	v21 =	vld.idx.msk [tilespmem:v25+s18+$0x0], $0xffff  }
0x1b0: {  	v25 =	vadd.s32 $0x2C, v1  }
0x1b1: {  	v19 =	vadd.f32 v20, v19;
	v20 =	vmul.f32 v23, v9;
	v23 =	vld.idx.msk [tilespmem:v26+s18+$0x0], $0xffff  }
0x1b2: {  	v26 =	vadd.s32 $0x2D, v1  }
0x1b3: {  	v19 =	vadd.f32 v20, v19;
	v20 =	vmul.f32 v22, v10;
	v22 =	vld.idx.msk [tilespmem:v24+s18+$0x0], $0xffff  }
0x1b4: {  	v24 =	vadd.s32 $0x2E, v1  }
0x1b5: {  	v19 =	vadd.f32 v20, v19;
	v20 =	vmul.f32 v21, v11;
	v21 =	vld.idx.msk [tilespmem:v25+s18+$0x0], $0xffff  }
0x1b6: {  	v25 =	vadd.s32 $0x2F, v1  }
0x1b7: {  	v19 =	vadd.f32 v20, v19;
	v20 =	vmul.f32 v23, v12;
	v23 =	vld.idx.msk [tilespmem:v26+s18+$0x0], $0xffff;
	_ =	sdelay $0x1  }
0x1b8: {  	v19 =	vadd.f32 v20, v19;
	v20 =	vmul.f32 v22, v13;
	v22 =	vld.idx.msk [tilespmem:v24+s18+$0x0], $0xffff;
	_ =	sdelay $0x1  }
0x1b9: {  	v19 =	vadd.f32 v20, v19;
	v20 =	vmul.f32 v21, v14;
	v21 =	vld.idx.msk [tilespmem:v25+s18+$0x0], $0xffff;
	_ =	sdelay $0x1  }
0x1ba: {  	v19 =	vadd.f32 v20, v19;
	v20 =	vmul.f32 v23, v15;
	_ =	sdelay $0x1  }
0x1bb: {  	v19 =	vadd.f32 v20, v19;
	v20 =	vmul.f32 v22, v16  }
0x1bc: {  	v22 =	vor.u32 $0x2, v17  }
0x1bd: {  	v19 =	vadd.f32 v20, v19;
	v20 =	vmul.f32 v21, v18;
	v21 =	vadd.s32 $0x30, v1  }
0x1be: {  	v23 =	vadd.s32 $0x31, v1  }
0x1bf: {  	v19 =	vadd.f32 v20, v19;
	v20 =	vadd.s32 $0x32, v1  }
0x1c0: {  	v24 =	vadd.s32 $0x33, v1  }
0x1c1: {  	[tilespmem:v22+s20+$0x0] =	vst.idx.msk $0xffff, v19;
	v19 =	vadd.s32 $0x34, v1  }
0x1c2: {  	v22 =	vadd.s32 $0x35, v1;
	v21 =	vld.idx.msk [tilespmem:v21+s18+$0x0], $0xffff  }
0x1c3: {  	v25 =	vadd.s32 $0x36, v1;
	v23 =	vld.idx.msk [tilespmem:v23+s18+$0x0], $0xffff  }
0x1c4: {  	v26 =	vadd.s32 $0x37, v1;
	v20 =	vld.idx.msk [tilespmem:v20+s18+$0x0], $0xffff  }
0x1c5: {  	v27 =	vadd.s32 $0x38, v1;
	v24 =	vld.idx.msk [tilespmem:v24+s18+$0x0], $0xffff  }
0x1c6: {  	v28 =	vadd.s32 $0x39, v1;
	v19 =	vld.idx.msk [tilespmem:v19+s18+$0x0], $0xffff  }
0x1c7: {  	v29 =	vadd.s32 $0x3A, v1;
	v22 =	vld.idx.msk [tilespmem:v22+s18+$0x0], $0xffff  }
0x1c8: {  	v30 =	vadd.s32 $0x3B, v1;
	v25 =	vld.idx.msk [tilespmem:v25+s18+$0x0], $0xffff  }
0x1c9: {  	v31 =	vadd.s32 $0x3C, v1;
	v21 =	vmul.f32 v21, v2;
	v23 =	vmul.f32 v23, v3;
	v26 =	vld.idx.msk [tilespmem:v26+s18+$0x0], $0xffff  }
0x1ca: {  	v32 =	vadd.s32 $0x3D, v1;
	v27 =	vld.idx.msk [tilespmem:v27+s18+$0x0], $0xffff  }
0x1cb: {  	v20 =	vmul.f32 v20, v4;
	v21 =	vadd.f32 v23, v21;
	v23 =	vld.idx.msk [tilespmem:v28+s18+$0x0], $0xffff;
	v28 =	vadd.s32 $0x3E, v1  }
0x1cc: {  	v33 =	vadd.s32 $0x3F, v1;
	v29 =	vld.idx.msk [tilespmem:v29+s18+$0x0], $0xffff  }
0x1cd: {  	v20 =	vadd.f32 v20, v21;
	v21 =	vmul.f32 v24, v8;
	v24 =	vld.idx.msk [tilespmem:v30+s18+$0x0], $0xffff  }
0x1ce: {  	v30 =	vld.idx.msk [tilespmem:v31+s18+$0x0], $0xffff  }
0x1cf: {  	v19 =	vmul.f32 v19, v5;
	v20 =	vadd.f32 v21, v20;
	v21 =	vld.idx.msk [tilespmem:v32+s18+$0x0], $0xffff  }
0x1d0: {  	v28 =	vld.idx.msk [tilespmem:v28+s18+$0x0], $0xffff  }
0x1d1: {  	v19 =	vadd.f32 v19, v20;
	v20 =	vmul.f32 v22, v6;
	v22 =	vld.idx.msk [tilespmem:v33+s18+$0x0], $0xffff;
	_ =	sdelay $0x1  }
0x1d2: {  	v19 =	vadd.f32 v20, v19;
	v20 =	vmul.f32 v25, v7;
	_ =	sdelay $0x1  }
0x1d3: {  	v19 =	vadd.f32 v20, v19;
	v20 =	vmul.f32 v26, v9;
	_ =	sdelay $0x1  }
0x1d4: {  	v19 =	vadd.f32 v20, v19;
	v20 =	vmul.f32 v27, v10;
	_ =	sdelay $0x1  }
0x1d5: {  	v19 =	vadd.f32 v20, v19;
	v20 =	vmul.f32 v23, v11;
	_ =	sdelay $0x1  }
0x1d6: {  	v19 =	vadd.f32 v20, v19;
	v20 =	vmul.f32 v29, v12;
	_ =	sdelay $0x1  }
0x1d7: {  	v19 =	vadd.f32 v20, v19;
	v20 =	vmul.f32 v24, v13;
	_ =	sdelay $0x1  }
0x1d8: {  	v19 =	vadd.f32 v20, v19;
	v20 =	vmul.f32 v30, v14;
	_ =	sdelay $0x1  }
0x1d9: {  	v19 =	vadd.f32 v20, v19;
	v20 =	vmul.f32 v21, v15;
	_ =	sdelay $0x1  }
0x1da: {  	v19 =	vadd.f32 v20, v19;
	v20 =	vmul.f32 v28, v16  }
0x1db: {  	v23 =	vadd.s32 $0x41, v1;
	v21 =	vor.u32 $0x3, v17  }
0x1dc: {  	v19 =	vadd.f32 v20, v19;
	v20 =	vmul.f32 v22, v18;
	v22 =	vadd.s32 $0x40, v1;
	_ =	sdelay $0x1  }
0x1dd: {  	v19 =	vadd.f32 v20, v19;
	v20 =	vadd.s32 $0x42, v1  }
0x1de: {  	v24 =	vadd.s32 $0x43, v1  }
0x1df: {  	[tilespmem:v21+s20+$0x0] =	vst.idx.msk $0xffff, v19;
	v19 =	vadd.s32 $0x44, v1  }
0x1e0: {  	v21 =	vld.idx.msk [tilespmem:v22+s18+$0x0], $0xffff;
	v22 =	vadd.s32 $0x45, v1  }
0x1e1: {  	v25 =	vadd.s32 $0x46, v1;
	v23 =	vld.idx.msk [tilespmem:v23+s18+$0x0], $0xffff  }
0x1e2: {  	v26 =	vadd.s32 $0x47, v1;
	v20 =	vld.idx.msk [tilespmem:v20+s18+$0x0], $0xffff  }
0x1e3: {  	v27 =	vadd.s32 $0x48, v1;
	v24 =	vld.idx.msk [tilespmem:v24+s18+$0x0], $0xffff  }
0x1e4: {  	v28 =	vadd.s32 $0x49, v1;
	v19 =	vld.idx.msk [tilespmem:v19+s18+$0x0], $0xffff  }
0x1e5: {  	v29 =	vadd.s32 $0x4A, v1;
	v22 =	vld.idx.msk [tilespmem:v22+s18+$0x0], $0xffff  }
0x1e6: {  	v2 =	vmul.f32 v21, v2;
	v21 =	vld.idx.msk [tilespmem:v25+s18+$0x0], $0xffff;
	v25 =	vadd.s32 $0x4B, v1  }
0x1e7: {  	v3 =	vmul.f32 v23, v3;
	v23 =	vld.idx.msk [tilespmem:v26+s18+$0x0], $0xffff;
	v26 =	vadd.s32 $0x4C, v1  }
0x1e8: {  	v4 =	vmul.f32 v20, v4;
	v20 =	vld.idx.msk [tilespmem:v27+s18+$0x0], $0xffff;
	v27 =	vadd.s32 $0x4D, v1  }
0x1e9: {  	v2 =	vadd.f32 v3, v2;
	v3 =	vld.idx.msk [tilespmem:v28+s18+$0x0], $0xffff;
	v28 =	vadd.s32 $0x4E, v1  }
0x1ea: {  	v8 =	vmul.f32 v24, v8;
	v1 =	vadd.s32 $0x4F, v1;
	v24 =	vld.idx.msk [tilespmem:v29+s18+$0x0], $0xffff  }
0x1eb: {  	v2 =	vadd.f32 v4, v2;
	v4 =	vld.idx.msk [tilespmem:v25+s18+$0x0], $0xffff  }
0x1ec: {  	v5 =	vmul.f32 v19, v5;
	v19 =	vld.idx.msk [tilespmem:v26+s18+$0x0], $0xffff  }
0x1ed: {  	v2 =	vadd.f32 v8, v2;
	v8 =	vld.idx.msk [tilespmem:v27+s18+$0x0], $0xffff  }
0x1ee: {  	v6 =	vmul.f32 v22, v6;
	v22 =	vld.idx.msk [tilespmem:v28+s18+$0x0], $0xffff  }
0x1ef: {  	v2 =	vadd.f32 v5, v2;
	v1 =	vld.idx.msk [tilespmem:v1+s18+$0x0], $0xffff  }
0x1f0: {  	v5 =	vmul.f32 v21, v7  }
0x1f1: {  	v2 =	vadd.f32 v6, v2  }
0x1f2: {  	v6 =	vmul.f32 v23, v9  }
0x1f3: {  	v2 =	vadd.f32 v5, v2  }
0x1f4: {  	v5 =	vmul.f32 v20, v10  }
0x1f5: {  	v6 =	vadd.f32 v6, v2;
	v2 =	vmul.f32 v1, v18  }
0x1f6: {  	v1 =	vmul.f32 v3, v11  }
0x1f7: {  	v3 =	vadd.f32 v5, v6  }
0x1f8: {  	v5 =	vmul.f32 v24, v12  }
0x1f9: {  	v1 =	vadd.f32 v1, v3  }
0x1fa: {  	v3 =	vmul.f32 v4, v13  }
0x1fb: {  	v1 =	vadd.f32 v5, v1  }
0x1fc: {  	v4 =	vmul.f32 v19, v14  }
.Ltmp0:
0x1fd: {  	v1 =	vadd.f32 v3, v1;
	(pc) =	sbr.rel @p0 .LBB2_2-.Ltmp0, $4  }
0x1fe: {  	v3 =	vmul.f32 v8, v15  }
0x1ff: {  	v1 =	vadd.f32 v4, v1  }
0x200: {  	v4 =	vmul.f32 v22, v16  }
0x201: {  	v5 =	vadd.f32 v3, v1;
	v3 =	vor.u32 $0x4, v17  }
0x202: {  	v18 =	vor.u32 s22, v0  }
0x203: {  	v15 =	vshll.u32 v18, $0x4;
	v4 =	vadd.f32 v4, v5  }
0x204: {  	v1 =	vmul.u32 $0x50, v18;
	v38 =	vor.u32 $0x1, v15  }
0x205: {  	v2 =	vadd.f32 v2, v4  }
0x206: {  	v6 =	vor.u32 $0x1, v1  }
0x207: {  	v39 =	vor.u32 $0x2, v15;
	[tilespmem:v3+s20+$0x0] =	vst.idx.msk $0xffff, v2  }
0x208: {  	v7 =	vor.u32 $0x2, v1;
	v2 =	vld.idx.msk [tilespmem:v15+s12+$0x0], $0xffff  }
0x209: {  	v8 =	vor.u32 $0x3, v15;
	v3 =	vld.idx.msk [tilespmem:v38+s12+$0x0], $0xffff  }
0x20a: {  	v9 =	vor.u32 $0x3, v1;
	v11 =	vld.idx.msk [tilespmem:v1+s18+$0x0], $0xffff  }
0x20b: {  	v40 =	vor.u32 $0x4, v15;
	v10 =	vld.idx.msk [tilespmem:v6+s18+$0x0], $0xffff  }
0x20c: {  	v12 =	vor.u32 $0x4, v1;
	v4 =	vld.idx.msk [tilespmem:v39+s12+$0x0], $0xffff  }
0x20d: {  	v13 =	vor.u32 $0x5, v15;
	v14 =	vld.idx.msk [tilespmem:v7+s18+$0x0], $0xffff  }
0x20e: {  	v16 =	vor.u32 $0x5, v1;
	v5 =	vld.idx.msk [tilespmem:v8+s12+$0x0], $0xffff  }
0x20f: {  	v41 =	vor.u32 $0x6, v15;
	v9 =	vld.idx.msk [tilespmem:v9+s18+$0x0], $0xffff  }
0x210: {  	v17 =	vor.u32 $0x6, v1;
	v6 =	vld.idx.msk [tilespmem:v40+s12+$0x0], $0xffff;
	v11 =	vmul.f32 v11, v2;
	v10 =	vmul.f32 v10, v3  }
0x211: {  	v20 =	vor.u32 $0x7, v1;
	v12 =	vld.idx.msk [tilespmem:v12+s18+$0x0], $0xffff  }
0x212: {  	v19 =	vor.u32 $0x7, v15;
	v7 =	vld.idx.msk [tilespmem:v13+s12+$0x0], $0xffff;
	v42 =	vmul.f32 v14, v4;
	v10 =	vadd.f32 v10, v11  }
0x213: {  	v45 =	vor.u32 $0x8, v1;
	v44 =	vld.idx.msk [tilespmem:v16+s18+$0x0], $0xffff  }
0x214: {  	v43 =	vor.u32 $0x8, v15;
	v8 =	vld.idx.msk [tilespmem:v41+s12+$0x0], $0xffff;
	v46 =	vmul.f32 v9, v5;
	v10 =	vadd.f32 v42, v10  }
0x215: {  	v22 =	vor.u32 $0x9, v1;
	v17 =	vld.idx.msk [tilespmem:v17+s18+$0x0], $0xffff  }
0x216: {  	v21 =	vor.u32 $0x9, v15;
	v20 =	vld.idx.msk [tilespmem:v20+s18+$0x0], $0xffff;
	v12 =	vmul.f32 v12, v6;
	v11 =	vadd.f32 v46, v10  }
0x217: {  	v23 =	vor.u32 $0xA, v1;
	v9 =	vld.idx.msk [tilespmem:v19+s12+$0x0], $0xffff  }
0x218: {  	v47 =	vor.u32 $0xA, v15;
	v16 =	vld.idx.msk [tilespmem:v45+s18+$0x0], $0xffff;
	v48 =	vmul.f32 v44, v7;
	v12 =	vadd.f32 v12, v11  }
0x219: {  	v24 =	vor.u32 $0xB, v1;
	v10 =	vld.idx.msk [tilespmem:v43+s12+$0x0], $0xffff  }
0x21a: {  	v49 =	vor.u32 $0xB, v15;
	v22 =	vld.idx.msk [tilespmem:v22+s18+$0x0], $0xffff;
	v17 =	vmul.f32 v17, v8;
	v13 =	vadd.f32 v48, v12  }
0x21b: {  	v25 =	vor.u32 $0xC, v1;
	v11 =	vld.idx.msk [tilespmem:v21+s12+$0x0], $0xffff  }
0x21c: {  	v50 =	vor.u32 $0xC, v15;
	v23 =	vld.idx.msk [tilespmem:v23+s18+$0x0], $0xffff;
	v51 =	vmul.f32 v20, v9;
	v17 =	vadd.f32 v17, v13  }
0x21d: {  	v52 =	vor.u32 $0xD, v15;
	v12 =	vld.idx.msk [tilespmem:v47+s12+$0x0], $0xffff  }
0x21e: {  	v26 =	vor.u32 $0xD, v1;
	v24 =	vld.idx.msk [tilespmem:v24+s18+$0x0], $0xffff;
	v16 =	vmul.f32 v16, v10;
	v17 =	vadd.f32 v51, v17  }
0x21f: {  	v27 =	vor.u32 $0xE, v1;
	v13 =	vld.idx.msk [tilespmem:v49+s12+$0x0], $0xffff  }
0x220: {  	v53 =	vor.u32 $0xE, v15;
	v56 =	vld.idx.msk [tilespmem:v25+s18+$0x0], $0xffff;
	v54 =	vmul.f32 v22, v11;
	v16 =	vadd.f32 v16, v17  }
0x221: {  	v57 =	vor.u32 $0xF, v1;
	v14 =	vld.idx.msk [tilespmem:v50+s12+$0x0], $0xffff  }
0x222: {  	v55 =	vor.u32 $0xF, v15;
	v15 =	vld.idx.msk [tilespmem:v52+s12+$0x0], $0xffff;
	v58 =	vmul.f32 v23, v12;
	v17 =	vadd.f32 v54, v16  }
0x223: {  	v59 =	vld.idx.msk [tilespmem:v26+s18+$0x0], $0xffff  }
0x224: {  	v62 =	vld.idx.msk [tilespmem:v27+s18+$0x0], $0xffff;
	v61 =	vmul.f32 v24, v13;
	v60 =	vadd.f32 v58, v17  }
0x225: {  	v16 =	vld.idx.msk [tilespmem:v53+s12+$0x0], $0xffff  }
0x226: {  	v26 =	vld.idx.msk [tilespmem:v57+s18+$0x0], $0xffff;
	v63 =	vmul.f32 v56, v14;
	v19 =	vadd.f32 v61, v60  }
0x227: {  	v17 =	vld.idx.msk [tilespmem:v55+s12+$0x0], $0xffff  }
0x228: {  	v27 =	vmul.f32 v59, v15;
	v19 =	vadd.f32 v63, v19;
	_ =	sdelay $0x1  }
0x229: {  	v28 =	vmul.f32 v62, v16;
	v19 =	vadd.f32 v27, v19  }
0x22a: {  	v18 =	vshll.u32 v18, $0x3  }
0x22b: {  	v30 =	vadd.s32 $0x10, v1;
	v29 =	vmul.f32 v26, v17;
	v19 =	vadd.f32 v28, v19  }
0x22c: {  	v31 =	vadd.s32 $0x11, v1  }
0x22d: {  	v19 =	vadd.f32 v29, v19  }
0x22e: {  	v32 =	vadd.s32 $0x12, v1  }
0x22f: {  	[tilespmem:v18+s20+$0x0] =	vst.idx.msk $0xffff, v19  }
0x230: {  	v33 =	vadd.s32 $0x13, v1;
	v19 =	vld.idx.msk [tilespmem:v30+s18+$0x0], $0xffff  }
0x231: {  	v22 =	vld.idx.msk [tilespmem:v31+s18+$0x0], $0xffff  }
0x232: {  	v34 =	vadd.s32 $0x14, v1  }
0x233: {  	v20 =	vld.idx.msk [tilespmem:v32+s18+$0x0], $0xffff  }
0x234: {  	v35 =	vadd.s32 $0x15, v1  }
0x235: {  	v21 =	vld.idx.msk [tilespmem:v33+s18+$0x0], $0xffff  }
0x236: {  	v36 =	vadd.s32 $0x16, v1;
	v19 =	vmul.f32 v19, v2;
	v22 =	vmul.f32 v22, v3  }
0x237: {  	v23 =	vld.idx.msk [tilespmem:v34+s18+$0x0], $0xffff  }
0x238: {  	v37 =	vadd.s32 $0x17, v1;
	v20 =	vmul.f32 v20, v4;
	v19 =	vadd.f32 v22, v19  }
0x239: {  	v38 =	vld.idx.msk [tilespmem:v35+s18+$0x0], $0xffff  }
0x23a: {  	v39 =	vadd.s32 $0x18, v1;
	v40 =	vmul.f32 v21, v5;
	v19 =	vadd.f32 v20, v19  }
0x23b: {  	v41 =	vld.idx.msk [tilespmem:v36+s18+$0x0], $0xffff  }
0x23c: {  	v42 =	vadd.s32 $0x19, v1;
	v43 =	vmul.f32 v23, v6;
	v19 =	vadd.f32 v40, v19  }
0x23d: {  	v44 =	vld.idx.msk [tilespmem:v37+s18+$0x0], $0xffff  }
0x23e: {  	v45 =	vadd.s32 $0x1A, v1;
	v46 =	vmul.f32 v38, v7;
	v19 =	vadd.f32 v43, v19  }
0x23f: {  	v47 =	vld.idx.msk [tilespmem:v39+s18+$0x0], $0xffff  }
0x240: {  	v48 =	vadd.s32 $0x1B, v1;
	v49 =	vmul.f32 v41, v8;
	v19 =	vadd.f32 v46, v19  }
0x241: {  	v50 =	vld.idx.msk [tilespmem:v42+s18+$0x0], $0xffff  }
0x242: {  	v51 =	vadd.s32 $0x1C, v1;
	v52 =	vmul.f32 v44, v9;
	v19 =	vadd.f32 v49, v19  }
0x243: {  	v53 =	vld.idx.msk [tilespmem:v45+s18+$0x0], $0xffff  }
0x244: {  	v54 =	vadd.s32 $0x1D, v1;
	v55 =	vmul.f32 v47, v10;
	v19 =	vadd.f32 v52, v19  }
0x245: {  	v56 =	vld.idx.msk [tilespmem:v48+s18+$0x0], $0xffff  }
0x246: {  	v57 =	vadd.s32 $0x1E, v1;
	v58 =	vmul.f32 v50, v11;
	v19 =	vadd.f32 v55, v19  }
0x247: {  	v59 =	vld.idx.msk [tilespmem:v51+s18+$0x0], $0xffff  }
0x248: {  	v60 =	vadd.s32 $0x1F, v1;
	v61 =	vmul.f32 v53, v12;
	v19 =	vadd.f32 v58, v19  }
0x249: {  	v62 =	vld.idx.msk [tilespmem:v54+s18+$0x0], $0xffff  }
0x24a: {  	v63 =	vmul.f32 v56, v13;
	v19 =	vadd.f32 v61, v19  }
0x24b: {  	v26 =	vld.idx.msk [tilespmem:v57+s18+$0x0], $0xffff  }
0x24c: {  	v27 =	vmul.f32 v59, v14;
	v19 =	vadd.f32 v63, v19  }
0x24d: {  	v28 =	vld.idx.msk [tilespmem:v60+s18+$0x0], $0xffff  }
0x24e: {  	v29 =	vmul.f32 v62, v15;
	v19 =	vadd.f32 v27, v19;
	_ =	sdelay $0x1  }
0x24f: {  	v30 =	vmul.f32 v26, v16;
	v19 =	vadd.f32 v29, v19  }
0x250: {  	v31 =	vor.u32 $0x1, v18  }
0x251: {  	v33 =	vadd.s32 $0x20, v1;
	v32 =	vmul.f32 v28, v17;
	v19 =	vadd.f32 v30, v19  }
0x252: {  	v34 =	vadd.s32 $0x21, v1  }
0x253: {  	v19 =	vadd.f32 v32, v19  }
0x254: {  	v35 =	vadd.s32 $0x22, v1  }
0x255: {  	[tilespmem:v31+s20+$0x0] =	vst.idx.msk $0xffff, v19  }
0x256: {  	v36 =	vadd.s32 $0x23, v1;
	v19 =	vld.idx.msk [tilespmem:v33+s18+$0x0], $0xffff  }
0x257: {  	v22 =	vld.idx.msk [tilespmem:v34+s18+$0x0], $0xffff  }
0x258: {  	v37 =	vadd.s32 $0x24, v1  }
0x259: {  	v20 =	vld.idx.msk [tilespmem:v35+s18+$0x0], $0xffff  }
0x25a: {  	v38 =	vadd.s32 $0x25, v1  }
0x25b: {  	v21 =	vld.idx.msk [tilespmem:v36+s18+$0x0], $0xffff  }
0x25c: {  	v39 =	vadd.s32 $0x26, v1;
	v19 =	vmul.f32 v19, v2;
	v22 =	vmul.f32 v22, v3  }
0x25d: {  	v23 =	vld.idx.msk [tilespmem:v37+s18+$0x0], $0xffff  }
0x25e: {  	v40 =	vadd.s32 $0x27, v1;
	v20 =	vmul.f32 v20, v4;
	v19 =	vadd.f32 v22, v19  }
0x25f: {  	v41 =	vld.idx.msk [tilespmem:v38+s18+$0x0], $0xffff  }
0x260: {  	v42 =	vadd.s32 $0x28, v1;
	v43 =	vmul.f32 v21, v5;
	v19 =	vadd.f32 v20, v19  }
0x261: {  	v44 =	vld.idx.msk [tilespmem:v39+s18+$0x0], $0xffff  }
0x262: {  	v45 =	vadd.s32 $0x29, v1;
	v46 =	vmul.f32 v23, v6;
	v19 =	vadd.f32 v43, v19  }
0x263: {  	v47 =	vld.idx.msk [tilespmem:v40+s18+$0x0], $0xffff  }
0x264: {  	v48 =	vadd.s32 $0x2A, v1;
	v49 =	vmul.f32 v41, v7;
	v19 =	vadd.f32 v46, v19  }
0x265: {  	v50 =	vld.idx.msk [tilespmem:v42+s18+$0x0], $0xffff  }
0x266: {  	v51 =	vadd.s32 $0x2B, v1;
	v52 =	vmul.f32 v44, v8;
	v19 =	vadd.f32 v49, v19  }
0x267: {  	v53 =	vld.idx.msk [tilespmem:v45+s18+$0x0], $0xffff  }
0x268: {  	v54 =	vadd.s32 $0x2C, v1;
	v55 =	vmul.f32 v47, v9;
	v19 =	vadd.f32 v52, v19  }
0x269: {  	v56 =	vld.idx.msk [tilespmem:v48+s18+$0x0], $0xffff  }
0x26a: {  	v57 =	vadd.s32 $0x2D, v1;
	v58 =	vmul.f32 v50, v10;
	v19 =	vadd.f32 v55, v19  }
0x26b: {  	v59 =	vld.idx.msk [tilespmem:v51+s18+$0x0], $0xffff  }
0x26c: {  	v60 =	vadd.s32 $0x2E, v1;
	v61 =	vmul.f32 v53, v11;
	v19 =	vadd.f32 v58, v19  }
0x26d: {  	v62 =	vld.idx.msk [tilespmem:v54+s18+$0x0], $0xffff  }
0x26e: {  	v63 =	vadd.s32 $0x2F, v1;
	v27 =	vmul.f32 v56, v12;
	v19 =	vadd.f32 v61, v19  }
0x26f: {  	v28 =	vld.idx.msk [tilespmem:v57+s18+$0x0], $0xffff  }
0x270: {  	v29 =	vmul.f32 v59, v13;
	v19 =	vadd.f32 v27, v19  }
0x271: {  	v30 =	vld.idx.msk [tilespmem:v60+s18+$0x0], $0xffff  }
0x272: {  	v31 =	vmul.f32 v62, v14;
	v19 =	vadd.f32 v29, v19  }
0x273: {  	v32 =	vld.idx.msk [tilespmem:v63+s18+$0x0], $0xffff  }
0x274: {  	v33 =	vmul.f32 v28, v15;
	v19 =	vadd.f32 v31, v19;
	_ =	sdelay $0x1  }
0x275: {  	v34 =	vmul.f32 v30, v16;
	v19 =	vadd.f32 v33, v19  }
0x276: {  	v35 =	vor.u32 $0x2, v18  }
0x277: {  	v37 =	vadd.s32 $0x30, v1;
	v36 =	vmul.f32 v32, v17;
	v19 =	vadd.f32 v34, v19  }
0x278: {  	v38 =	vadd.s32 $0x31, v1  }
0x279: {  	v19 =	vadd.f32 v36, v19  }
0x27a: {  	v39 =	vadd.s32 $0x32, v1  }
0x27b: {  	[tilespmem:v35+s20+$0x0] =	vst.idx.msk $0xffff, v19  }
0x27c: {  	v40 =	vadd.s32 $0x33, v1;
	v21 =	vld.idx.msk [tilespmem:v37+s18+$0x0], $0xffff  }
0x27d: {  	v22 =	vld.idx.msk [tilespmem:v38+s18+$0x0], $0xffff  }
0x27e: {  	v41 =	vadd.s32 $0x34, v1  }
0x27f: {  	v20 =	vld.idx.msk [tilespmem:v39+s18+$0x0], $0xffff  }
0x280: {  	v42 =	vadd.s32 $0x35, v1  }
0x281: {  	v19 =	vld.idx.msk [tilespmem:v40+s18+$0x0], $0xffff  }
0x282: {  	v43 =	vadd.s32 $0x36, v1;
	v21 =	vmul.f32 v21, v2;
	v22 =	vmul.f32 v22, v3  }
0x283: {  	v23 =	vld.idx.msk [tilespmem:v41+s18+$0x0], $0xffff  }
0x284: {  	v44 =	vadd.s32 $0x37, v1;
	v20 =	vmul.f32 v20, v4;
	v21 =	vadd.f32 v22, v21  }
0x285: {  	v45 =	vld.idx.msk [tilespmem:v42+s18+$0x0], $0xffff  }
0x286: {  	v46 =	vadd.s32 $0x38, v1;
	v19 =	vmul.f32 v19, v5;
	v20 =	vadd.f32 v20, v21  }
0x287: {  	v47 =	vld.idx.msk [tilespmem:v43+s18+$0x0], $0xffff  }
0x288: {  	v48 =	vadd.s32 $0x39, v1;
	v49 =	vmul.f32 v23, v6;
	v19 =	vadd.f32 v19, v20  }
0x289: {  	v50 =	vld.idx.msk [tilespmem:v44+s18+$0x0], $0xffff  }
0x28a: {  	v51 =	vadd.s32 $0x3A, v1;
	v52 =	vmul.f32 v45, v7;
	v19 =	vadd.f32 v49, v19  }
0x28b: {  	v53 =	vld.idx.msk [tilespmem:v46+s18+$0x0], $0xffff  }
0x28c: {  	v54 =	vadd.s32 $0x3B, v1;
	v55 =	vmul.f32 v47, v8;
	v19 =	vadd.f32 v52, v19  }
0x28d: {  	v56 =	vld.idx.msk [tilespmem:v48+s18+$0x0], $0xffff  }
0x28e: {  	v57 =	vadd.s32 $0x3C, v1;
	v58 =	vmul.f32 v50, v9;
	v19 =	vadd.f32 v55, v19  }
0x28f: {  	v59 =	vld.idx.msk [tilespmem:v51+s18+$0x0], $0xffff  }
0x290: {  	v60 =	vadd.s32 $0x3D, v1;
	v61 =	vmul.f32 v53, v10;
	v19 =	vadd.f32 v58, v19  }
0x291: {  	v62 =	vld.idx.msk [tilespmem:v54+s18+$0x0], $0xffff  }
0x292: {  	v63 =	vadd.s32 $0x3E, v1;
	v28 =	vmul.f32 v56, v11;
	v19 =	vadd.f32 v61, v19  }
0x293: {  	v29 =	vld.idx.msk [tilespmem:v57+s18+$0x0], $0xffff  }
0x294: {  	v30 =	vadd.s32 $0x3F, v1;
	v31 =	vmul.f32 v59, v12;
	v19 =	vadd.f32 v28, v19  }
0x295: {  	v32 =	vld.idx.msk [tilespmem:v60+s18+$0x0], $0xffff  }
0x296: {  	v33 =	vmul.f32 v62, v13;
	v19 =	vadd.f32 v31, v19  }
0x297: {  	v34 =	vld.idx.msk [tilespmem:v63+s18+$0x0], $0xffff  }
0x298: {  	v35 =	vmul.f32 v29, v14;
	v19 =	vadd.f32 v33, v19  }
0x299: {  	v36 =	vld.idx.msk [tilespmem:v30+s18+$0x0], $0xffff  }
0x29a: {  	v37 =	vmul.f32 v32, v15;
	v19 =	vadd.f32 v35, v19;
	_ =	sdelay $0x1  }
0x29b: {  	v38 =	vmul.f32 v34, v16;
	v19 =	vadd.f32 v37, v19  }
0x29c: {  	v39 =	vor.u32 $0x3, v18  }
0x29d: {  	v41 =	vadd.s32 $0x40, v1;
	v40 =	vmul.f32 v36, v17;
	v19 =	vadd.f32 v38, v19  }
0x29e: {  	v42 =	vadd.s32 $0x41, v1  }
0x29f: {  	v19 =	vadd.f32 v40, v19  }
0x2a0: {  	v43 =	vadd.s32 $0x42, v1  }
0x2a1: {  	[tilespmem:v39+s20+$0x0] =	vst.idx.msk $0xffff, v19  }
0x2a2: {  	v44 =	vadd.s32 $0x43, v1;
	v21 =	vld.idx.msk [tilespmem:v41+s18+$0x0], $0xffff  }
0x2a3: {  	v22 =	vld.idx.msk [tilespmem:v42+s18+$0x0], $0xffff  }
0x2a4: {  	v45 =	vadd.s32 $0x44, v1  }
0x2a5: {  	v20 =	vld.idx.msk [tilespmem:v43+s18+$0x0], $0xffff  }
0x2a6: {  	v46 =	vadd.s32 $0x45, v1  }
0x2a7: {  	v19 =	vld.idx.msk [tilespmem:v44+s18+$0x0], $0xffff  }
0x2a8: {  	v47 =	vadd.s32 $0x46, v1;
	v2 =	vmul.f32 v21, v2;
	v3 =	vmul.f32 v22, v3  }
0x2a9: {  	v48 =	vld.idx.msk [tilespmem:v45+s18+$0x0], $0xffff  }
0x2aa: {  	v49 =	vadd.s32 $0x47, v1;
	v4 =	vmul.f32 v20, v4;
	v2 =	vadd.f32 v3, v2  }
0x2ab: {  	v3 =	vld.idx.msk [tilespmem:v46+s18+$0x0], $0xffff  }
0x2ac: {  	v50 =	vadd.s32 $0x48, v1;
	v5 =	vmul.f32 v19, v5;
	v2 =	vadd.f32 v4, v2  }
0x2ad: {  	v51 =	vld.idx.msk [tilespmem:v47+s18+$0x0], $0xffff  }
0x2ae: {  	v52 =	vadd.s32 $0x49, v1;
	v6 =	vmul.f32 v48, v6;
	v2 =	vadd.f32 v5, v2  }
0x2af: {  	v53 =	vld.idx.msk [tilespmem:v49+s18+$0x0], $0xffff  }
0x2b0: {  	v54 =	vadd.s32 $0x4A, v1;
	v3 =	vmul.f32 v3, v7;
	v2 =	vadd.f32 v6, v2  }
0x2b1: {  	v55 =	vld.idx.msk [tilespmem:v50+s18+$0x0], $0xffff  }
0x2b2: {  	v56 =	vadd.s32 $0x4B, v1;
	v4 =	vmul.f32 v51, v8;
	v2 =	vadd.f32 v3, v2  }
0x2b3: {  	v3 =	vld.idx.msk [tilespmem:v52+s18+$0x0], $0xffff  }
0x2b4: {  	v57 =	vadd.s32 $0x4C, v1;
	v5 =	vmul.f32 v53, v9;
	v2 =	vadd.f32 v4, v2  }
0x2b5: {  	v58 =	vld.idx.msk [tilespmem:v54+s18+$0x0], $0xffff  }
0x2b6: {  	v59 =	vadd.s32 $0x4D, v1;
	v6 =	vmul.f32 v55, v10;
	v2 =	vadd.f32 v5, v2  }
0x2b7: {  	v60 =	vld.idx.msk [tilespmem:v56+s18+$0x0], $0xffff  }
0x2b8: {  	v61 =	vadd.s32 $0x4E, v1;
	v3 =	vmul.f32 v3, v11;
	v2 =	vadd.f32 v6, v2  }
0x2b9: {  	v62 =	vld.idx.msk [tilespmem:v57+s18+$0x0], $0xffff  }
0x2ba: {  	v1 =	vadd.s32 $0x4F, v1;
	v4 =	vmul.f32 v58, v12;
	v2 =	vadd.f32 v3, v2  }
0x2bb: {  	v3 =	vld.idx.msk [tilespmem:v59+s18+$0x0], $0xffff  }
0x2bc: {  	v5 =	vmul.f32 v60, v13;
	v2 =	vadd.f32 v4, v2  }
0x2bd: {  	v63 =	vld.idx.msk [tilespmem:v61+s18+$0x0], $0xffff  }
0x2be: {  	v6 =	vmul.f32 v62, v14;
	v2 =	vadd.f32 v5, v2  }
0x2bf: {  	v1 =	vld.idx.msk [tilespmem:v1+s18+$0x0], $0xffff  }
0x2c0: {  	v3 =	vmul.f32 v3, v15;
	v2 =	vadd.f32 v6, v2;
	_ =	sdelay $0x1  }
0x2c1: {  	v4 =	vmul.f32 v63, v16;
	v2 =	vadd.f32 v3, v2  }
0x2c2: {  	v3 =	vor.u32 $0x4, v18  }
0x2c3: {  	v1 =	vmul.f32 v1, v17;
	v2 =	vadd.f32 v4, v2;
	_ =	sdelay $0x1  }
0x2c4: {  	s21 =	sadd.s32 $0x1, s21;
	v1 =	vadd.f32 v1, v2  }
0x2c5: {  	p0 =	sne.s32 s21, s8  }
.Ltmp1:
0x2c6: {  	[tilespmem:v3+s20+$0x0] =	vst.idx.msk $0xffff, v1;
	(pc) =	sbr.rel @p0 .LBB2_1-.Ltmp1, $4  }
0x2c7: {  	[hbm4b:s7+s2] =	stream.linear.scatter [tilespmem:s20], [sflag:$0x2], $0x1000, $0x38;
	[tilespmem:$0xDC00] =	vst v63  }
0x2c8: {  	_ =	swait.ge [sflag:s9], $0x1000  }
0x2c9: {  	[sflag:s9] =	ssyncset.done $0x0  }
0x2ca: {  	[sflag:s9] =	ssyncadd.s32 $0xFFFFF000  }
0x2cb: {  	_ =	sfence.sel $0x180000  }
0x2cc: {  	[bflag:$0x0] =	sbarrier.arrive $0xFFFF  }
0x2cd: {  	_ =	strace $0x90000047  }
0x2ce: {  	s0 =	stileid.u32;
	[bflag:$0x2] =	sbarrier.arrive $0xFFFF  }
0x2cf: {  	p0 =	sne.s32 s0, $0x0;
	s0 =	rddreg [dreg:$0x4]  }
0x2d0: {  	s0 =	sadd.s32 @!p0 $0x100000, s0  }
0x2d1: {  	[sflag:s0] =	ssyncadd.tile.s32 @!p0 $0x1;
	_ =	shalt  }
.Lfunc_end2:
_tile_overlayer_lowered:
.L_overlay_start_2:
0x2d2: {  	(tag) =	ssettag $0x2  }
0x2d3: {  	s0 =	rddreg [dreg:$0x0];
	s2 =	stileid.u32  }
0x2d4: {  	s1 =	rddreg [dreg:$0x1];
	p0 =	sne.s32 s2, $0x0  }
0x2d5: {  	s3 =	rddreg [dreg:$0x2];
	[bflag:$0x3] =	sbarrier.arrive $0xFFFF;
	s2 =	simm.s32 @!p0 $0x1C02  }
0x2d6: {  	[timem:s3], [sflag:s2] =	dma.local @!p0 [hbm:s0], s1  }
0x2d7: {  	s0 =	simm.s32 @!p0 $0x2  }
0x2d8: {  	_ =	swait.ge @!p0 [sflag:s0], s1  }
0x2d9: {  	s1 =	ssub.s32 @!p0 $0x0, s1;
	[sflag:s0] =	ssyncset.done @!p0 $0x0  }
0x2da: {  	[sflag:s0] =	ssyncadd.s32 @!p0 s1  }
0x2db: {  	[bflag:$0x3] =	sbarrier.arrive $0xFFFF  }
0x2dc: {  	_ =	shalt  }

</sc_bundles>
